<compile_context>
chip_gen: v7x
topology: tpu7x:2x2x1
jax: 0.10.2.dev20260603
libtpu: 0.0.44.dev20260713+nightly
codegen_flags: <defaults>
</compile_context>

<pallas_src>
import functools

import jax
import jax.numpy as jnp
from jax import lax
from jax.experimental import pallas as pl
from jax.experimental.pallas import tpu as pltpu
from jax.experimental.pallas import tpu_sc as plsc

_SCALE = 11.313708498984761
_D = 128
_C = 128
_NBUF = 4


@functools.partial(jax.jit, static_argnums=(0,))
def _embed(n_rows, idx, table):
    info = plsc.get_sparse_core_info()
    num_cores, num_subcores = info.num_cores, info.num_subcores
    nw = num_cores * num_subcores
    b_per_w = n_rows // nw
    g_chunks = b_per_w // _C
    g_main = (g_chunks // _NBUF) * _NBUF

    mesh = plsc.VectorSubcoreMesh(core_axis_name="c", subcore_axis_name="s")

    @functools.partial(
        pl.kernel,
        mesh=mesh,
        out_type=jax.ShapeDtypeStruct((n_rows, _D), jnp.float32),
        scratch_types=[
            pltpu.VMEM((g_chunks, _C), jnp.int32),
        ]
        + [pltpu.VMEM((_C, _D), jnp.float32) for _ in range(_NBUF)]
        + [pltpu.SemaphoreType.DMA for _ in range(2 * _NBUF)],
    )
    def k(idx_hbm, table_hbm, out_hbm, idx_v, *bufs_and_sems):
        bufs = bufs_and_sems[:_NBUF]
        gsems = bufs_and_sems[_NBUF : 2 * _NBUF]
        osems = bufs_and_sems[2 * _NBUF :]

        wid = lax.axis_index("s") * num_cores + lax.axis_index("c")
        base = wid * b_per_w
        pltpu.sync_copy(idx_hbm.at[wid], idx_v)

        def start_gather(g, b):
            pltpu.async_copy(table_hbm.at[idx_v.at[g]], bufs[b], gsems[b])

        def wait_gather(g, b):
            pltpu.make_async_copy(
                table_hbm.at[idx_v.at[g]], bufs[b], gsems[b]
            ).wait()

        def start_out(g, b):
            pltpu.async_copy(
                bufs[b], out_hbm.at[pl.ds(base + g * _C, _C)], osems[b]
            )

        def wait_out(g, b):
            pltpu.make_async_copy(
                bufs[b], out_hbm.at[pl.ds(base + g * _C, _C)], osems[b]
            ).wait()

        def scale(b):
            buf = bufs[b]

            @plsc.parallel_loop(0, _C, step=1, unroll=4)
            def _(r):
                for j in range(_D // 16):
                    sl = pl.ds(j * 16, 16)
                    buf[r, sl] = buf[r, sl] * _SCALE

        for g in range(_NBUF - 1):
            start_gather(g, g)

        def _run_if(cond):
            def deco(fn):
                if cond:
                    fn()

            return deco

        def body(g, u, dynamic):
            nb = (u + _NBUF - 1) % _NBUF

            def prefetch():
                @pl.when(g >= 1) if dynamic else _run_if(g >= 1)
                def _():
                    wait_out(g - 1, nb)

                start_gather(g + _NBUF - 1, nb)

            if dynamic:

                @pl.when(g + _NBUF - 1 < g_chunks)
                def _():
                    prefetch()

            elif g + _NBUF - 1 < g_chunks:
                prefetch()

            wait_gather(g, u)
            scale(u)
            start_out(g, u)

        def step(i, carry):
            for u in range(_NBUF):
                body(_NBUF * i + u, u, dynamic=True)
            return carry

        lax.fori_loop(0, g_main // _NBUF, step, 0)
        for g in range(g_main, g_chunks):
            body(g, g % _NBUF, dynamic=False)
        for g in range(g_chunks - _NBUF, g_chunks):
            wait_out(g, g % _NBUF)

    return k(idx, table)


def kernel(inputs, table):
    shape = inputs.shape
    n = inputs.size
    info = plsc.get_sparse_core_info()
    nw = info.num_cores * info.num_subcores
    idx = inputs.reshape(nw, -1, _C).astype(jnp.int32)
    out = _embed(n, idx, table)
    return out.reshape(*shape, _D)

# --- scband reference (transcript-rebuilt; emitter-appended) ---
"""Pipeline reference for scband-gemma3n-text-scaled-word-embedding-27719718928497 (READ-ONLY COPY).

The authoritative reference and input builder live on the scoring server;
editing this copy changes nothing except your own understanding.
"""

import jax, jax.numpy as jnp
import numpy as np

NUM_EMBEDDINGS = 100000
EMBEDDING_DIM = 128
EMBED_SCALE = 11.313708498984761


def setup_inputs(seed: int = 0) -> dict:
    key = jax.random.key(seed)
    k_idx, k_tab = jax.random.split(key)
    inputs = jax.random.randint(k_idx, (1024, 200), 0, NUM_EMBEDDINGS, dtype=jnp.int64 if jax.config.jax_enable_x64 else jnp.int32)
    # Keras Embedding default init: uniform(-0.05, 0.05)
    table = jax.random.uniform(k_tab, (NUM_EMBEDDINGS, EMBEDDING_DIM), dtype=jnp.float32, minval=-0.05, maxval=0.05)
    return {"inputs": inputs, "table": table}


def reference(inputs, table):
    # Embedding lookup (gather rows of the table by token id)
    embeddings = jnp.take(table, inputs, axis=0)
    scale = jnp.asarray(EMBED_SCALE, dtype=embeddings.dtype)
    return embeddings * scale

if __name__ == "__main__":
    import jax
    _d = setup_inputs()
    print(jax.jit(kernel)(*tuple(_d.values())))

</pallas_src>

<mosaic_0001>
#map = affine_map<(d0, d1) -> (0, 0, 0)>
#map1 = affine_map<(d0, d1) -> (0, 0)>
module attributes {stable_mosaic.version = 14 : i64} {
  func.func @k(%arg0: i32, %arg1: i32, %arg2: memref<32x50x128xi32, #tpu.memory_space<hbm>>, %arg3: memref<100000x128xf32, #tpu.memory_space<hbm>>, %arg4: memref<204800x128xf32, #tpu.memory_space<hbm>>, %arg5: memref<50x128xi32, #tpu.memory_space<vmem>>, %arg6: memref<128x128xf32, #tpu.memory_space<vmem>>, %arg7: memref<128x128xf32, #tpu.memory_space<vmem>>, %arg8: memref<128x128xf32, #tpu.memory_space<vmem>>, %arg9: memref<128x128xf32, #tpu.memory_space<vmem>>, %arg10: memref<!tpu.dma_semaphore, #tpu.memory_space<semaphore_mem>>, %arg11: memref<!tpu.dma_semaphore, #tpu.memory_space<semaphore_mem>>, %arg12: memref<!tpu.dma_semaphore, #tpu.memory_space<semaphore_mem>>, %arg13: memref<!tpu.dma_semaphore, #tpu.memory_space<semaphore_mem>>, %arg14: memref<!tpu.dma_semaphore, #tpu.memory_space<semaphore_mem>>, %arg15: memref<!tpu.dma_semaphore, #tpu.memory_space<semaphore_mem>>, %arg16: memref<!tpu.dma_semaphore, #tpu.memory_space<semaphore_mem>>, %arg17: memref<!tpu.dma_semaphore, #tpu.memory_space<semaphore_mem>>) attributes {dimension_semantics = [#tpu.dimension_semantics<core_parallel>, #tpu.dimension_semantics<subcore_parallel>], iteration_bounds = array<i64: 2, 16>, scalar_prefetch = 0 : i64, scratch_operands = 13 : i64, tpu.core_type = #tpu.core_type<sc_vector_subcore>, window_params = [{transform_indices = #map}, {transform_indices = #map1}, {transform_indices = #map1}]} {
    %mul3A = arith.constant 2 : i32
    %mul3A_0 = arith.muli %arg1, %mul3A : i32
    %add3A = arith.addi %mul3A_0, %arg0 : i32
    %mul3A_1 = arith.constant 6400 : i32
    %mul3A_2 = arith.muli %add3A, %mul3A_1 : i32
    "tpu.region"() ({
      %run_scoped3A = tpu.sem_alloc : memref<!tpu.dma_semaphore, #tpu.memory_space<semaphore_mem>>
      %dma_start3A_82 = arith.constant 0 : i32
      %dma_start3A_83 = arith.constant 0 : i32
      %dma_start3A_84 = tpu.memref_slice %arg2[%add3A, %dma_start3A_82, %dma_start3A_83] : memref<32x50x128xi32, #tpu.memory_space<hbm>> -> memref<1x50x128xi32, #tpu.memory_space<hbm>>
      %dma_start3A_85 = tpu.memref_squeeze %dma_start3A_84 : memref<1x50x128xi32, #tpu.memory_space<hbm>> -> memref<50x128xi32, #tpu.memory_space<hbm>>
      %dma_start3A_86 = arith.constant 0 : i32
      %dma_start3A_87 = arith.constant 0 : i32
      %dma_start3A_88 = tpu.memref_slice %arg2[%add3A, %dma_start3A_86, %dma_start3A_87] : memref<32x50x128xi32, #tpu.memory_space<hbm>> -> memref<1x50x128xi32, #tpu.memory_space<hbm>>
      %dma_start3A_89 = tpu.memref_squeeze %dma_start3A_88 : memref<1x50x128xi32, #tpu.memory_space<hbm>> -> memref<50x128xi32, #tpu.memory_space<hbm>>
      tpu.enqueue_dma source(%dma_start3A_89 : memref<50x128xi32, #tpu.memory_space<hbm>>) target(%arg5 : memref<50x128xi32, #tpu.memory_space<vmem>>) target_semaphore(%run_scoped3A : memref<!tpu.dma_semaphore, #tpu.memory_space<semaphore_mem>>)
      %dma_wait3A_90 = arith.constant 0 : i32
      %dma_wait3A_91 = arith.constant 0 : i32
      %dma_wait3A_92 = tpu.memref_slice %arg2[%add3A, %dma_wait3A_90, %dma_wait3A_91] : memref<32x50x128xi32, #tpu.memory_space<hbm>> -> memref<1x50x128xi32, #tpu.memory_space<hbm>>
      %dma_wait3A_93 = tpu.memref_squeeze %dma_wait3A_92 : memref<1x50x128xi32, #tpu.memory_space<hbm>> -> memref<50x128xi32, #tpu.memory_space<hbm>>
      %dma_wait3A_94 = arith.constant 0 : i32
      %dma_wait3A_95 = arith.constant 0 : i32
      %dma_wait3A_96 = tpu.memref_slice %arg2[%add3A, %dma_wait3A_94, %dma_wait3A_95] : memref<32x50x128xi32, #tpu.memory_space<hbm>> -> memref<1x50x128xi32, #tpu.memory_space<hbm>>
      %dma_wait3A_97 = tpu.memref_squeeze %dma_wait3A_96 : memref<1x50x128xi32, #tpu.memory_space<hbm>> -> memref<50x128xi32, #tpu.memory_space<hbm>>
      tpu.wait_dma2 semaphore(%run_scoped3A : memref<!tpu.dma_semaphore, #tpu.memory_space<semaphore_mem>>) src(%dma_wait3A_97 : memref<50x128xi32, #tpu.memory_space<hbm>>) dst(%arg5 : memref<50x128xi32, #tpu.memory_space<vmem>>)
      tpu.yield
    }) : () -> ()
    %dma_start3A = arith.constant 0 : i32
    %dma_start3A_3 = arith.constant 0 : i32
    %dma_start3A_4 = tpu.memref_slice %arg5[%dma_start3A, %dma_start3A_3] : memref<50x128xi32, #tpu.memory_space<vmem>> -> memref<1x128xi32, #tpu.memory_space<vmem>>
    %dma_start3A_5 = tpu.memref_squeeze %dma_start3A_4 : memref<1x128xi32, #tpu.memory_space<vmem>> -> memref<128xi32, #tpu.memory_space<vmem>>
    %dma_start3A_6 = arith.constant 0 : i32
    %dma_start3A_7 = arith.constant 0 : i32
    %dma_start3A_8 = tpu.memref_slice %arg3[%dma_start3A_6, %dma_start3A_7] : memref<100000x128xf32, #tpu.memory_space<hbm>> -> memref<100000x128xf32, #tpu.memory_space<hbm>>
    tpu.enqueue_indirect_dma source(%dma_start3A_8 : memref<100000x128xf32, #tpu.memory_space<hbm>>) target(%arg6 : memref<128x128xf32, #tpu.memory_space<vmem>>) offsets(%dma_start3A_5 : memref<128xi32, #tpu.memory_space<vmem>>) semaphore(%arg10 : memref<!tpu.dma_semaphore, #tpu.memory_space<semaphore_mem>>)
    %dma_start3A_9 = arith.constant 1 : i32
    %dma_start3A_10 = arith.constant 0 : i32
    %dma_start3A_11 = tpu.memref_slice %arg5[%dma_start3A_9, %dma_start3A_10] : memref<50x128xi32, #tpu.memory_space<vmem>> -> memref<1x128xi32, #tpu.memory_space<vmem>>
    %dma_start3A_12 = tpu.memref_squeeze %dma_start3A_11 : memref<1x128xi32, #tpu.memory_space<vmem>> -> memref<128xi32, #tpu.memory_space<vmem>>
    %dma_start3A_13 = arith.constant 0 : i32
    %dma_start3A_14 = arith.constant 0 : i32
    %dma_start3A_15 = tpu.memref_slice %arg3[%dma_start3A_13, %dma_start3A_14] : memref<100000x128xf32, #tpu.memory_space<hbm>> -> memref<100000x128xf32, #tpu.memory_space<hbm>>
    tpu.enqueue_indirect_dma source(%dma_start3A_15 : memref<100000x128xf32, #tpu.memory_space<hbm>>) target(%arg7 : memref<128x128xf32, #tpu.memory_space<vmem>>) offsets(%dma_start3A_12 : memref<128xi32, #tpu.memory_space<vmem>>) semaphore(%arg11 : memref<!tpu.dma_semaphore, #tpu.memory_space<semaphore_mem>>)
    %dma_start3A_16 = arith.constant 2 : i32
    %dma_start3A_17 = arith.constant 0 : i32
    %dma_start3A_18 = tpu.memref_slice %arg5[%dma_start3A_16, %dma_start3A_17] : memref<50x128xi32, #tpu.memory_space<vmem>> -> memref<1x128xi32, #tpu.memory_space<vmem>>
    %dma_start3A_19 = tpu.memref_squeeze %dma_start3A_18 : memref<1x128xi32, #tpu.memory_space<vmem>> -> memref<128xi32, #tpu.memory_space<vmem>>
    %dma_start3A_20 = arith.constant 0 : i32
    %dma_start3A_21 = arith.constant 0 : i32
    %dma_start3A_22 = tpu.memref_slice %arg3[%dma_start3A_20, %dma_start3A_21] : memref<100000x128xf32, #tpu.memory_space<hbm>> -> memref<100000x128xf32, #tpu.memory_space<hbm>>
    tpu.enqueue_indirect_dma source(%dma_start3A_22 : memref<100000x128xf32, #tpu.memory_space<hbm>>) target(%arg8 : memref<128x128xf32, #tpu.memory_space<vmem>>) offsets(%dma_start3A_19 : memref<128xi32, #tpu.memory_space<vmem>>) semaphore(%arg12 : memref<!tpu.dma_semaphore, #tpu.memory_space<semaphore_mem>>)
    %scan3A = arith.constant 0 : i32
    %scan3A_23 = arith.constant 0 : i32
    %scan3A_24 = arith.constant 12 : i32
    %scan3A_25 = arith.addi %scan3A_23, %scan3A_24 : i32
    %scan3A_26 = arith.constant 1 : i32
    scf.for %scan3A_82 = %scan3A_23 to %scan3A_25 step %scan3A_26  : i32 {
      %mul3A_83 = arith.constant 4 : i32
      %mul3A_84 = arith.muli %mul3A_83, %scan3A_82 : i32
      %add3A_85 = arith.constant 0 : i32
      %add3A_86 = arith.addi %mul3A_84, %add3A_85 : i32
      %add3A_87 = arith.constant 4 : i32
      %add3A_88 = arith.addi %add3A_86, %add3A_87 : i32
      %sub3A = arith.constant 1 : i32
      %sub3A_89 = arith.subi %add3A_88, %sub3A : i32
      %lt3A = arith.constant 50 : i32
      %lt3A_90 = arith.cmpi slt, %sub3A_89, %lt3A : i32
      %convert_element_type3A = arith.extui %lt3A_90 : i1 to i32
      %cond3A = arith.constant 0 : i32
      %cond3A_91 = arith.cmpi ne, %convert_element_type3A, %cond3A : i32
      scf.if %cond3A_91 {
        %ge3A = arith.constant 1 : i32
        %ge3A_195 = arith.cmpi sge, %add3A_86, %ge3A : i32
        %convert_element_type3A_196 = arith.extui %ge3A_195 : i1 to i32
        %cond3A_197 = arith.constant 0 : i32
        %cond3A_198 = arith.cmpi ne, %convert_element_type3A_196, %cond3A_197 : i32
        scf.if %cond3A_198 {
          %sub3A_209 = arith.constant 1 : i32
          %sub3A_210 = arith.subi %add3A_86, %sub3A_209 : i32
          %mul3A_211 = arith.constant 128 : i32
          %mul3A_212 = arith.muli %sub3A_210, %mul3A_211 : i32
          %add3A_213 = arith.addi %mul3A_2, %mul3A_212 : i32
          %dma_wait3A_214 = arith.constant 0 : i32
          %dma_wait3A_215 = tpu.memref_slice %arg4[%add3A_213, %dma_wait3A_214] : memref<204800x128xf32, #tpu.memory_space<hbm>> -> memref<128x128xf32, #tpu.memory_space<hbm>>
          %dma_wait3A_216 = arith.constant 0 : i32
          %dma_wait3A_217 = tpu.memref_slice %arg4[%add3A_213, %dma_wait3A_216] : memref<204800x128xf32, #tpu.memory_space<hbm>> -> memref<128x128xf32, #tpu.memory_space<hbm>>
          tpu.wait_dma2 semaphore(%arg17 : memref<!tpu.dma_semaphore, #tpu.memory_space<semaphore_mem>>) src(%arg9 : memref<128x128xf32, #tpu.memory_space<vmem>>) dst(%dma_wait3A_217 : memref<128x128xf32, #tpu.memory_space<hbm>>)
        } else {
        }
        %add3A_199 = arith.constant 4 : i32
        %add3A_200 = arith.addi %add3A_86, %add3A_199 : i32
        %sub3A_201 = arith.constant 1 : i32
        %sub3A_202 = arith.subi %add3A_200, %sub3A_201 : i32
        %dma_start3A_203 = arith.constant 0 : i32
        %dma_start3A_204 = tpu.memref_slice %arg5[%sub3A_202, %dma_start3A_203] : memref<50x128xi32, #tpu.memory_space<vmem>> -> memref<1x128xi32, #tpu.memory_space<vmem>>
        %dma_start3A_205 = tpu.memref_squeeze %dma_start3A_204 : memref<1x128xi32, #tpu.memory_space<vmem>> -> memref<128xi32, #tpu.memory_space<vmem>>
        %dma_start3A_206 = arith.constant 0 : i32
        %dma_start3A_207 = arith.constant 0 : i32
        %dma_start3A_208 = tpu.memref_slice %arg3[%dma_start3A_206, %dma_start3A_207] : memref<100000x128xf32, #tpu.memory_space<hbm>> -> memref<100000x128xf32, #tpu.memory_space<hbm>>
        tpu.enqueue_indirect_dma source(%dma_start3A_208 : memref<100000x128xf32, #tpu.memory_space<hbm>>) target(%arg9 : memref<128x128xf32, #tpu.memory_space<vmem>>) offsets(%dma_start3A_205 : memref<128xi32, #tpu.memory_space<vmem>>) semaphore(%arg13 : memref<!tpu.dma_semaphore, #tpu.memory_space<semaphore_mem>>)
      } else {
      }
      %dma_wait3A_92 = arith.constant 0 : i32
      %dma_wait3A_93 = tpu.memref_slice %arg5[%add3A_86, %dma_wait3A_92] : memref<50x128xi32, #tpu.memory_space<vmem>> -> memref<1x128xi32, #tpu.memory_space<vmem>>
      %dma_wait3A_94 = tpu.memref_squeeze %dma_wait3A_93 : memref<1x128xi32, #tpu.memory_space<vmem>> -> memref<128xi32, #tpu.memory_space<vmem>>
      %dma_wait3A_95 = arith.constant 0 : i32
      %dma_wait3A_96 = arith.constant 0 : i32
      %dma_wait3A_97 = tpu.memref_slice %arg3[%dma_wait3A_95, %dma_wait3A_96] : memref<100000x128xf32, #tpu.memory_space<hbm>> -> memref<100000x128xf32, #tpu.memory_space<hbm>>
      tpu.wait_indirect_dma semaphore(%arg10 : memref<!tpu.dma_semaphore, #tpu.memory_space<semaphore_mem>>) src(%dma_wait3A_97 : memref<100000x128xf32, #tpu.memory_space<hbm>>) dst(%arg6 : memref<128x128xf32, #tpu.memory_space<vmem>>)
      %parallel_loop3A_98 = arith.constant 0 : i32
      %parallel_loop3A_99 = arith.constant 128 : i32
      %parallel_loop3A_100 = arith.constant 1 : i32
      scf.for %parallel_loop3A_195 = %parallel_loop3A_98 to %parallel_loop3A_99 step %parallel_loop3A_100  : i32 {
        %parallel_loop3A_196 = arith.index_cast %parallel_loop3A_195 : i32 to index
        %parallel_loop3A_197 = arith.constant 0 : index
        %parallel_loop3A_198 = tpu.vector_load %arg6[%parallel_loop3A_196, %parallel_loop3A_197] {strides = array<i32>} : memref<128x128xf32, #tpu.memory_space<vmem>>, vector<1x16xf32>,
        %parallel_loop3A_199 = vector.shape_cast %parallel_loop3A_198 : vector<1x16xf32> to vector<16xf32>
        %parallel_loop3A_200 = arith.constant 11.3137083 : f32
        %parallel_loop3A_201 = vector.broadcast %parallel_loop3A_200 : f32 to vector<16xf32>
        %parallel_loop3A_202 = arith.mulf %parallel_loop3A_199, %parallel_loop3A_201 : vector<16xf32>
        %parallel_loop3A_203 = arith.index_cast %parallel_loop3A_195 : i32 to index
        %parallel_loop3A_204 = arith.constant 0 : index
        %parallel_loop3A_205 = tpu.vector_load %arg6[%parallel_loop3A_203, %parallel_loop3A_204] {strides = array<i32>} : memref<128x128xf32, #tpu.memory_space<vmem>>, vector<1x16xf32>,
        %parallel_loop3A_206 = vector.shape_cast %parallel_loop3A_205 : vector<1x16xf32> to vector<16xf32>
        %parallel_loop3A_207 = vector.shape_cast %parallel_loop3A_202 : vector<16xf32> to vector<1x16xf32>
        tpu.vector_store %arg6[%parallel_loop3A_203, %parallel_loop3A_204], %parallel_loop3A_207 {strides = array<i32>} : memref<128x128xf32, #tpu.memory_space<vmem>>, vector<1x16xf32>,
        %parallel_loop3A_208 = arith.index_cast %parallel_loop3A_195 : i32 to index
        %parallel_loop3A_209 = arith.constant 16 : index
        %parallel_loop3A_210 = tpu.vector_load %arg6[%parallel_loop3A_208, %parallel_loop3A_209] {strides = array<i32>} : memref<128x128xf32, #tpu.memory_space<vmem>>, vector<1x16xf32>,
        %parallel_loop3A_211 = vector.shape_cast %parallel_loop3A_210 : vector<1x16xf32> to vector<16xf32>
        %parallel_loop3A_212 = arith.constant 11.3137083 : f32
        %parallel_loop3A_213 = vector.broadcast %parallel_loop3A_212 : f32 to vector<16xf32>
        %parallel_loop3A_214 = arith.mulf %parallel_loop3A_211, %parallel_loop3A_213 : vector<16xf32>
        %parallel_loop3A_215 = arith.index_cast %parallel_loop3A_195 : i32 to index
        %parallel_loop3A_216 = arith.constant 16 : index
        %parallel_loop3A_217 = tpu.vector_load %arg6[%parallel_loop3A_215, %parallel_loop3A_216] {strides = array<i32>} : memref<128x128xf32, #tpu.memory_space<vmem>>, vector<1x16xf32>,
        %parallel_loop3A_218 = vector.shape_cast %parallel_loop3A_217 : vector<1x16xf32> to vector<16xf32>
        %parallel_loop3A_219 = vector.shape_cast %parallel_loop3A_214 : vector<16xf32> to vector<1x16xf32>
        tpu.vector_store %arg6[%parallel_loop3A_215, %parallel_loop3A_216], %parallel_loop3A_219 {strides = array<i32>} : memref<128x128xf32, #tpu.memory_space<vmem>>, vector<1x16xf32>,
        %parallel_loop3A_220 = arith.index_cast %parallel_loop3A_195 : i32 to index
        %parallel_loop3A_221 = arith.constant 32 : index
        %parallel_loop3A_222 = tpu.vector_load %arg6[%parallel_loop3A_220, %parallel_loop3A_221] {strides = array<i32>} : memref<128x128xf32, #tpu.memory_space<vmem>>, vector<1x16xf32>,
        %parallel_loop3A_223 = vector.shape_cast %parallel_loop3A_222 : vector<1x16xf32> to vector<16xf32>
        %parallel_loop3A_224 = arith.constant 11.3137083 : f32
        %parallel_loop3A_225 = vector.broadcast %parallel_loop3A_224 : f32 to vector<16xf32>
        %parallel_loop3A_226 = arith.mulf %parallel_loop3A_223, %parallel_loop3A_225 : vector<16xf32>
        %parallel_loop3A_227 = arith.index_cast %parallel_loop3A_195 : i32 to index
        %parallel_loop3A_228 = arith.constant 32 : index
        %parallel_loop3A_229 = tpu.vector_load %arg6[%parallel_loop3A_227, %parallel_loop3A_228] {strides = array<i32>} : memref<128x128xf32, #tpu.memory_space<vmem>>, vector<1x16xf32>,
        %parallel_loop3A_230 = vector.shape_cast %parallel_loop3A_229 : vector<1x16xf32> to vector<16xf32>
        %parallel_loop3A_231 = vector.shape_cast %parallel_loop3A_226 : vector<16xf32> to vector<1x16xf32>
        tpu.vector_store %arg6[%parallel_loop3A_227, %parallel_loop3A_228], %parallel_loop3A_231 {strides = array<i32>} : memref<128x128xf32, #tpu.memory_space<vmem>>, vector<1x16xf32>,
        %parallel_loop3A_232 = arith.index_cast %parallel_loop3A_195 : i32 to index
        %parallel_loop3A_233 = arith.constant 48 : index
        %parallel_loop3A_234 = tpu.vector_load %arg6[%parallel_loop3A_232, %parallel_loop3A_233] {strides = array<i32>} : memref<128x128xf32, #tpu.memory_space<vmem>>, vector<1x16xf32>,
        %parallel_loop3A_235 = vector.shape_cast %parallel_loop3A_234 : vector<1x16xf32> to vector<16xf32>
        %parallel_loop3A_236 = arith.constant 11.3137083 : f32
        %parallel_loop3A_237 = vector.broadcast %parallel_loop3A_236 : f32 to vector<16xf32>
        %parallel_loop3A_238 = arith.mulf %parallel_loop3A_235, %parallel_loop3A_237 : vector<16xf32>
        %parallel_loop3A_239 = arith.index_cast %parallel_loop3A_195 : i32 to index
        %parallel_loop3A_240 = arith.constant 48 : index
        %parallel_loop3A_241 = tpu.vector_load %arg6[%parallel_loop3A_239, %parallel_loop3A_240] {strides = array<i32>} : memref<128x128xf32, #tpu.memory_space<vmem>>, vector<1x16xf32>,
        %parallel_loop3A_242 = vector.shape_cast %parallel_loop3A_241 : vector<1x16xf32> to vector<16xf32>
        %parallel_loop3A_243 = vector.shape_cast %parallel_loop3A_238 : vector<16xf32> to vector<1x16xf32>
        tpu.vector_store %arg6[%parallel_loop3A_239, %parallel_loop3A_240], %parallel_loop3A_243 {strides = array<i32>} : memref<128x128xf32, #tpu.memory_space<vmem>>, vector<1x16xf32>,
        %parallel_loop3A_244 = arith.index_cast %parallel_loop3A_195 : i32 to index
        %parallel_loop3A_245 = arith.constant 64 : index
        %parallel_loop3A_246 = tpu.vector_load %arg6[%parallel_loop3A_244, %parallel_loop3A_245] {strides = array<i32>} : memref<128x128xf32, #tpu.memory_space<vmem>>, vector<1x16xf32>,
        %parallel_loop3A_247 = vector.shape_cast %parallel_loop3A_246 : vector<1x16xf32> to vector<16xf32>
        %parallel_loop3A_248 = arith.constant 11.3137083 : f32
        %parallel_loop3A_249 = vector.broadcast %parallel_loop3A_248 : f32 to vector<16xf32>
        %parallel_loop3A_250 = arith.mulf %parallel_loop3A_247, %parallel_loop3A_249 : vector<16xf32>
        %parallel_loop3A_251 = arith.index_cast %parallel_loop3A_195 : i32 to index
        %parallel_loop3A_252 = arith.constant 64 : index
        %parallel_loop3A_253 = tpu.vector_load %arg6[%parallel_loop3A_251, %parallel_loop3A_252] {strides = array<i32>} : memref<128x128xf32, #tpu.memory_space<vmem>>, vector<1x16xf32>,
        %parallel_loop3A_254 = vector.shape_cast %parallel_loop3A_253 : vector<1x16xf32> to vector<16xf32>
        %parallel_loop3A_255 = vector.shape_cast %parallel_loop3A_250 : vector<16xf32> to vector<1x16xf32>
        tpu.vector_store %arg6[%parallel_loop3A_251, %parallel_loop3A_252], %parallel_loop3A_255 {strides = array<i32>} : memref<128x128xf32, #tpu.memory_space<vmem>>, vector<1x16xf32>,
        %parallel_loop3A_256 = arith.index_cast %parallel_loop3A_195 : i32 to index
        %parallel_loop3A_257 = arith.constant 80 : index
        %parallel_loop3A_258 = tpu.vector_load %arg6[%parallel_loop3A_256, %parallel_loop3A_257] {strides = array<i32>} : memref<128x128xf32, #tpu.memory_space<vmem>>, vector<1x16xf32>,
        %parallel_loop3A_259 = vector.shape_cast %parallel_loop3A_258 : vector<1x16xf32> to vector<16xf32>
        %parallel_loop3A_260 = arith.constant 11.3137083 : f32
        %parallel_loop3A_261 = vector.broadcast %parallel_loop3A_260 : f32 to vector<16xf32>
        %parallel_loop3A_262 = arith.mulf %parallel_loop3A_259, %parallel_loop3A_261 : vector<16xf32>
        %parallel_loop3A_263 = arith.index_cast %parallel_loop3A_195 : i32 to index
        %parallel_loop3A_264 = arith.constant 80 : index
        %parallel_loop3A_265 = tpu.vector_load %arg6[%parallel_loop3A_263, %parallel_loop3A_264] {strides = array<i32>} : memref<128x128xf32, #tpu.memory_space<vmem>>, vector<1x16xf32>,
        %parallel_loop3A_266 = vector.shape_cast %parallel_loop3A_265 : vector<1x16xf32> to vector<16xf32>
        %parallel_loop3A_267 = vector.shape_cast %parallel_loop3A_262 : vector<16xf32> to vector<1x16xf32>
        tpu.vector_store %arg6[%parallel_loop3A_263, %parallel_loop3A_264], %parallel_loop3A_267 {strides = array<i32>} : memref<128x128xf32, #tpu.memory_space<vmem>>, vector<1x16xf32>,
        %parallel_loop3A_268 = arith.index_cast %parallel_loop3A_195 : i32 to index
        %parallel_loop3A_269 = arith.constant 96 : index
        %parallel_loop3A_270 = tpu.vector_load %arg6[%parallel_loop3A_268, %parallel_loop3A_269] {strides = array<i32>} : memref<128x128xf32, #tpu.memory_space<vmem>>, vector<1x16xf32>,
        %parallel_loop3A_271 = vector.shape_cast %parallel_loop3A_270 : vector<1x16xf32> to vector<16xf32>
        %parallel_loop3A_272 = arith.constant 11.3137083 : f32
        %parallel_loop3A_273 = vector.broadcast %parallel_loop3A_272 : f32 to vector<16xf32>
        %parallel_loop3A_274 = arith.mulf %parallel_loop3A_271, %parallel_loop3A_273 : vector<16xf32>
        %parallel_loop3A_275 = arith.index_cast %parallel_loop3A_195 : i32 to index
        %parallel_loop3A_276 = arith.constant 96 : index
        %parallel_loop3A_277 = tpu.vector_load %arg6[%parallel_loop3A_275, %parallel_loop3A_276] {strides = array<i32>} : memref<128x128xf32, #tpu.memory_space<vmem>>, vector<1x16xf32>,
        %parallel_loop3A_278 = vector.shape_cast %parallel_loop3A_277 : vector<1x16xf32> to vector<16xf32>
        %parallel_loop3A_279 = vector.shape_cast %parallel_loop3A_274 : vector<16xf32> to vector<1x16xf32>
        tpu.vector_store %arg6[%parallel_loop3A_275, %parallel_loop3A_276], %parallel_loop3A_279 {strides = array<i32>} : memref<128x128xf32, #tpu.memory_space<vmem>>, vector<1x16xf32>,
        %parallel_loop3A_280 = arith.index_cast %parallel_loop3A_195 : i32 to index
        %parallel_loop3A_281 = arith.constant 112 : index
        %parallel_loop3A_282 = tpu.vector_load %arg6[%parallel_loop3A_280, %parallel_loop3A_281] {strides = array<i32>} : memref<128x128xf32, #tpu.memory_space<vmem>>, vector<1x16xf32>,
        %parallel_loop3A_283 = vector.shape_cast %parallel_loop3A_282 : vector<1x16xf32> to vector<16xf32>
        %parallel_loop3A_284 = arith.constant 11.3137083 : f32
        %parallel_loop3A_285 = vector.broadcast %parallel_loop3A_284 : f32 to vector<16xf32>
        %parallel_loop3A_286 = arith.mulf %parallel_loop3A_283, %parallel_loop3A_285 : vector<16xf32>
        %parallel_loop3A_287 = arith.index_cast %parallel_loop3A_195 : i32 to index
        %parallel_loop3A_288 = arith.constant 112 : index
        %parallel_loop3A_289 = tpu.vector_load %arg6[%parallel_loop3A_287, %parallel_loop3A_288] {strides = array<i32>} : memref<128x128xf32, #tpu.memory_space<vmem>>, vector<1x16xf32>,
        %parallel_loop3A_290 = vector.shape_cast %parallel_loop3A_289 : vector<1x16xf32> to vector<16xf32>
        %parallel_loop3A_291 = vector.shape_cast %parallel_loop3A_286 : vector<16xf32> to vector<1x16xf32>
        tpu.vector_store %arg6[%parallel_loop3A_287, %parallel_loop3A_288], %parallel_loop3A_291 {strides = array<i32>} : memref<128x128xf32, #tpu.memory_space<vmem>>, vector<1x16xf32>,
      } {sc.loop_unroll_factor = 4 : i64, sc.parallel_access}
      %mul3A_101 = arith.constant 128 : i32
      %mul3A_102 = arith.muli %add3A_86, %mul3A_101 : i32
      %add3A_103 = arith.addi %mul3A_2, %mul3A_102 : i32
      %dma_start3A_104 = arith.constant 0 : i32
      %dma_start3A_105 = tpu.memref_slice %arg4[%add3A_103, %dma_start3A_104] : memref<204800x128xf32, #tpu.memory_space<hbm>> -> memref<128x128xf32, #tpu.memory_space<hbm>>
      %dma_start3A_106 = arith.constant 0 : i32
      %dma_start3A_107 = tpu.memref_slice %arg4[%add3A_103, %dma_start3A_106] : memref<204800x128xf32, #tpu.memory_space<hbm>> -> memref<128x128xf32, #tpu.memory_space<hbm>>
      tpu.enqueue_dma source(%arg6 : memref<128x128xf32, #tpu.memory_space<vmem>>) target(%dma_start3A_107 : memref<128x128xf32, #tpu.memory_space<hbm>>) target_semaphore(%arg14 : memref<!tpu.dma_semaphore, #tpu.memory_space<semaphore_mem>>)
      %mul3A_108 = arith.constant 4 : i32
      %mul3A_109 = arith.muli %mul3A_108, %scan3A_82 : i32
      %add3A_110 = arith.constant 1 : i32
      %add3A_111 = arith.addi %mul3A_109, %add3A_110 : i32
      %add3A_112 = arith.constant 4 : i32
      %add3A_113 = arith.addi %add3A_111, %add3A_112 : i32
      %sub3A_114 = arith.constant 1 : i32
      %sub3A_115 = arith.subi %add3A_113, %sub3A_114 : i32
      %lt3A_116 = arith.constant 50 : i32
      %lt3A_117 = arith.cmpi slt, %sub3A_115, %lt3A_116 : i32
      %convert_element_type3A_118 = arith.extui %lt3A_117 : i1 to i32
      %cond3A_119 = arith.constant 0 : i32
      %cond3A_120 = arith.cmpi ne, %convert_element_type3A_118, %cond3A_119 : i32
      scf.if %cond3A_120 {
        %ge3A = arith.constant 1 : i32
        %ge3A_195 = arith.cmpi sge, %add3A_111, %ge3A : i32
        %convert_element_type3A_196 = arith.extui %ge3A_195 : i1 to i32
        %cond3A_197 = arith.constant 0 : i32
        %cond3A_198 = arith.cmpi ne, %convert_element_type3A_196, %cond3A_197 : i32
        scf.if %cond3A_198 {
          %sub3A_209 = arith.constant 1 : i32
          %sub3A_210 = arith.subi %add3A_111, %sub3A_209 : i32
          %mul3A_211 = arith.constant 128 : i32
          %mul3A_212 = arith.muli %sub3A_210, %mul3A_211 : i32
          %add3A_213 = arith.addi %mul3A_2, %mul3A_212 : i32
          %dma_wait3A_214 = arith.constant 0 : i32
          %dma_wait3A_215 = tpu.memref_slice %arg4[%add3A_213, %dma_wait3A_214] : memref<204800x128xf32, #tpu.memory_space<hbm>> -> memref<128x128xf32, #tpu.memory_space<hbm>>
          %dma_wait3A_216 = arith.constant 0 : i32
          %dma_wait3A_217 = tpu.memref_slice %arg4[%add3A_213, %dma_wait3A_216] : memref<204800x128xf32, #tpu.memory_space<hbm>> -> memref<128x128xf32, #tpu.memory_space<hbm>>
          tpu.wait_dma2 semaphore(%arg14 : memref<!tpu.dma_semaphore, #tpu.memory_space<semaphore_mem>>) src(%arg6 : memref<128x128xf32, #tpu.memory_space<vmem>>) dst(%dma_wait3A_217 : memref<128x128xf32, #tpu.memory_space<hbm>>)
        } else {
        }
        %add3A_199 = arith.constant 4 : i32
        %add3A_200 = arith.addi %add3A_111, %add3A_199 : i32
        %sub3A_201 = arith.constant 1 : i32
        %sub3A_202 = arith.subi %add3A_200, %sub3A_201 : i32
        %dma_start3A_203 = arith.constant 0 : i32
        %dma_start3A_204 = tpu.memref_slice %arg5[%sub3A_202, %dma_start3A_203] : memref<50x128xi32, #tpu.memory_space<vmem>> -> memref<1x128xi32, #tpu.memory_space<vmem>>
        %dma_start3A_205 = tpu.memref_squeeze %dma_start3A_204 : memref<1x128xi32, #tpu.memory_space<vmem>> -> memref<128xi32, #tpu.memory_space<vmem>>
        %dma_start3A_206 = arith.constant 0 : i32
        %dma_start3A_207 = arith.constant 0 : i32
        %dma_start3A_208 = tpu.memref_slice %arg3[%dma_start3A_206, %dma_start3A_207] : memref<100000x128xf32, #tpu.memory_space<hbm>> -> memref<100000x128xf32, #tpu.memory_space<hbm>>
        tpu.enqueue_indirect_dma source(%dma_start3A_208 : memref<100000x128xf32, #tpu.memory_space<hbm>>) target(%arg6 : memref<128x128xf32, #tpu.memory_space<vmem>>) offsets(%dma_start3A_205 : memref<128xi32, #tpu.memory_space<vmem>>) semaphore(%arg10 : memref<!tpu.dma_semaphore, #tpu.memory_space<semaphore_mem>>)
      } else {
      }
      %dma_wait3A_121 = arith.constant 0 : i32
      %dma_wait3A_122 = tpu.memref_slice %arg5[%add3A_111, %dma_wait3A_121] : memref<50x128xi32, #tpu.memory_space<vmem>> -> memref<1x128xi32, #tpu.memory_space<vmem>>
      %dma_wait3A_123 = tpu.memref_squeeze %dma_wait3A_122 : memref<1x128xi32, #tpu.memory_space<vmem>> -> memref<128xi32, #tpu.memory_space<vmem>>
      %dma_wait3A_124 = arith.constant 0 : i32
      %dma_wait3A_125 = arith.constant 0 : i32
      %dma_wait3A_126 = tpu.memref_slice %arg3[%dma_wait3A_124, %dma_wait3A_125] : memref<100000x128xf32, #tpu.memory_space<hbm>> -> memref<100000x128xf32, #tpu.memory_space<hbm>>
      tpu.wait_indirect_dma semaphore(%arg11 : memref<!tpu.dma_semaphore, #tpu.memory_space<semaphore_mem>>) src(%dma_wait3A_126 : memref<100000x128xf32, #tpu.memory_space<hbm>>) dst(%arg7 : memref<128x128xf32, #tpu.memory_space<vmem>>)
      %parallel_loop3A_127 = arith.constant 0 : i32
      %parallel_loop3A_128 = arith.constant 128 : i32
      %parallel_loop3A_129 = arith.constant 1 : i32
      scf.for %parallel_loop3A_195 = %parallel_loop3A_127 to %parallel_loop3A_128 step %parallel_loop3A_129  : i32 {
        %parallel_loop3A_196 = arith.index_cast %parallel_loop3A_195 : i32 to index
        %parallel_loop3A_197 = arith.constant 0 : index
        %parallel_loop3A_198 = tpu.vector_load %arg7[%parallel_loop3A_196, %parallel_loop3A_197] {strides = array<i32>} : memref<128x128xf32, #tpu.memory_space<vmem>>, vector<1x16xf32>,
        %parallel_loop3A_199 = vector.shape_cast %parallel_loop3A_198 : vector<1x16xf32> to vector<16xf32>
        %parallel_loop3A_200 = arith.constant 11.3137083 : f32
        %parallel_loop3A_201 = vector.broadcast %parallel_loop3A_200 : f32 to vector<16xf32>
        %parallel_loop3A_202 = arith.mulf %parallel_loop3A_199, %parallel_loop3A_201 : vector<16xf32>
        %parallel_loop3A_203 = arith.index_cast %parallel_loop3A_195 : i32 to index
        %parallel_loop3A_204 = arith.constant 0 : index
        %parallel_loop3A_205 = tpu.vector_load %arg7[%parallel_loop3A_203, %parallel_loop3A_204] {strides = array<i32>} : memref<128x128xf32, #tpu.memory_space<vmem>>, vector<1x16xf32>,
        %parallel_loop3A_206 = vector.shape_cast %parallel_loop3A_205 : vector<1x16xf32> to vector<16xf32>
        %parallel_loop3A_207 = vector.shape_cast %parallel_loop3A_202 : vector<16xf32> to vector<1x16xf32>
        tpu.vector_store %arg7[%parallel_loop3A_203, %parallel_loop3A_204], %parallel_loop3A_207 {strides = array<i32>} : memref<128x128xf32, #tpu.memory_space<vmem>>, vector<1x16xf32>,
        %parallel_loop3A_208 = arith.index_cast %parallel_loop3A_195 : i32 to index
        %parallel_loop3A_209 = arith.constant 16 : index
        %parallel_loop3A_210 = tpu.vector_load %arg7[%parallel_loop3A_208, %parallel_loop3A_209] {strides = array<i32>} : memref<128x128xf32, #tpu.memory_space<vmem>>, vector<1x16xf32>,
        %parallel_loop3A_211 = vector.shape_cast %parallel_loop3A_210 : vector<1x16xf32> to vector<16xf32>
        %parallel_loop3A_212 = arith.constant 11.3137083 : f32
        %parallel_loop3A_213 = vector.broadcast %parallel_loop3A_212 : f32 to vector<16xf32>
        %parallel_loop3A_214 = arith.mulf %parallel_loop3A_211, %parallel_loop3A_213 : vector<16xf32>
        %parallel_loop3A_215 = arith.index_cast %parallel_loop3A_195 : i32 to index
        %parallel_loop3A_216 = arith.constant 16 : index
        %parallel_loop3A_217 = tpu.vector_load %arg7[%parallel_loop3A_215, %parallel_loop3A_216] {strides = array<i32>} : memref<128x128xf32, #tpu.memory_space<vmem>>, vector<1x16xf32>,
        %parallel_loop3A_218 = vector.shape_cast %parallel_loop3A_217 : vector<1x16xf32> to vector<16xf32>
        %parallel_loop3A_219 = vector.shape_cast %parallel_loop3A_214 : vector<16xf32> to vector<1x16xf32>
        tpu.vector_store %arg7[%parallel_loop3A_215, %parallel_loop3A_216], %parallel_loop3A_219 {strides = array<i32>} : memref<128x128xf32, #tpu.memory_space<vmem>>, vector<1x16xf32>,
        %parallel_loop3A_220 = arith.index_cast %parallel_loop3A_195 : i32 to index
        %parallel_loop3A_221 = arith.constant 32 : index
        %parallel_loop3A_222 = tpu.vector_load %arg7[%parallel_loop3A_220, %parallel_loop3A_221] {strides = array<i32>} : memref<128x128xf32, #tpu.memory_space<vmem>>, vector<1x16xf32>,
        %parallel_loop3A_223 = vector.shape_cast %parallel_loop3A_222 : vector<1x16xf32> to vector<16xf32>
        %parallel_loop3A_224 = arith.constant 11.3137083 : f32
        %parallel_loop3A_225 = vector.broadcast %parallel_loop3A_224 : f32 to vector<16xf32>
        %parallel_loop3A_226 = arith.mulf %parallel_loop3A_223, %parallel_loop3A_225 : vector<16xf32>
        %parallel_loop3A_227 = arith.index_cast %parallel_loop3A_195 : i32 to index
        %parallel_loop3A_228 = arith.constant 32 : index
        %parallel_loop3A_229 = tpu.vector_load %arg7[%parallel_loop3A_227, %parallel_loop3A_228] {strides = array<i32>} : memref<128x128xf32, #tpu.memory_space<vmem>>, vector<1x16xf32>,
        %parallel_loop3A_230 = vector.shape_cast %parallel_loop3A_229 : vector<1x16xf32> to vector<16xf32>
        %parallel_loop3A_231 = vector.shape_cast %parallel_loop3A_226 : vector<16xf32> to vector<1x16xf32>
        tpu.vector_store %arg7[%parallel_loop3A_227, %parallel_loop3A_228], %parallel_loop3A_231 {strides = array<i32>} : memref<128x128xf32, #tpu.memory_space<vmem>>, vector<1x16xf32>,
        %parallel_loop3A_232 = arith.index_cast %parallel_loop3A_195 : i32 to index
        %parallel_loop3A_233 = arith.constant 48 : index
        %parallel_loop3A_234 = tpu.vector_load %arg7[%parallel_loop3A_232, %parallel_loop3A_233] {strides = array<i32>} : memref<128x128xf32, #tpu.memory_space<vmem>>, vector<1x16xf32>,
        %parallel_loop3A_235 = vector.shape_cast %parallel_loop3A_234 : vector<1x16xf32> to vector<16xf32>
        %parallel_loop3A_236 = arith.constant 11.3137083 : f32
        %parallel_loop3A_237 = vector.broadcast %parallel_loop3A_236 : f32 to vector<16xf32>
        %parallel_loop3A_238 = arith.mulf %parallel_loop3A_235, %parallel_loop3A_237 : vector<16xf32>
        %parallel_loop3A_239 = arith.index_cast %parallel_loop3A_195 : i32 to index
        %parallel_loop3A_240 = arith.constant 48 : index
        %parallel_loop3A_241 = tpu.vector_load %arg7[%parallel_loop3A_239, %parallel_loop3A_240] {strides = array<i32>} : memref<128x128xf32, #tpu.memory_space<vmem>>, vector<1x16xf32>,
        %parallel_loop3A_242 = vector.shape_cast %parallel_loop3A_241 : vector<1x16xf32> to vector<16xf32>
        %parallel_loop3A_243 = vector.shape_cast %parallel_loop3A_238 : vector<16xf32> to vector<1x16xf32>
        tpu.vector_store %arg7[%parallel_loop3A_239, %parallel_loop3A_240], %parallel_loop3A_243 {strides = array<i32>} : memref<128x128xf32, #tpu.memory_space<vmem>>, vector<1x16xf32>,
        %parallel_loop3A_244 = arith.index_cast %parallel_loop3A_195 : i32 to index
        %parallel_loop3A_245 = arith.constant 64 : index
        %parallel_loop3A_246 = tpu.vector_load %arg7[%parallel_loop3A_244, %parallel_loop3A_245] {strides = array<i32>} : memref<128x128xf32, #tpu.memory_space<vmem>>, vector<1x16xf32>,
        %parallel_loop3A_247 = vector.shape_cast %parallel_loop3A_246 : vector<1x16xf32> to vector<16xf32>
        %parallel_loop3A_248 = arith.constant 11.3137083 : f32
        %parallel_loop3A_249 = vector.broadcast %parallel_loop3A_248 : f32 to vector<16xf32>
        %parallel_loop3A_250 = arith.mulf %parallel_loop3A_247, %parallel_loop3A_249 : vector<16xf32>
        %parallel_loop3A_251 = arith.index_cast %parallel_loop3A_195 : i32 to index
        %parallel_loop3A_252 = arith.constant 64 : index
        %parallel_loop3A_253 = tpu.vector_load %arg7[%parallel_loop3A_251, %parallel_loop3A_252] {strides = array<i32>} : memref<128x128xf32, #tpu.memory_space<vmem>>, vector<1x16xf32>,
        %parallel_loop3A_254 = vector.shape_cast %parallel_loop3A_253 : vector<1x16xf32> to vector<16xf32>
        %parallel_loop3A_255 = vector.shape_cast %parallel_loop3A_250 : vector<16xf32> to vector<1x16xf32>
        tpu.vector_store %arg7[%parallel_loop3A_251, %parallel_loop3A_252], %parallel_loop3A_255 {strides = array<i32>} : memref<128x128xf32, #tpu.memory_space<vmem>>, vector<1x16xf32>,
        %parallel_loop3A_256 = arith.index_cast %parallel_loop3A_195 : i32 to index
        %parallel_loop3A_257 = arith.constant 80 : index
        %parallel_loop3A_258 = tpu.vector_load %arg7[%parallel_loop3A_256, %parallel_loop3A_257] {strides = array<i32>} : memref<128x128xf32, #tpu.memory_space<vmem>>, vector<1x16xf32>,
        %parallel_loop3A_259 = vector.shape_cast %parallel_loop3A_258 : vector<1x16xf32> to vector<16xf32>
        %parallel_loop3A_260 = arith.constant 11.3137083 : f32
        %parallel_loop3A_261 = vector.broadcast %parallel_loop3A_260 : f32 to vector<16xf32>
        %parallel_loop3A_262 = arith.mulf %parallel_loop3A_259, %parallel_loop3A_261 : vector<16xf32>
        %parallel_loop3A_263 = arith.index_cast %parallel_loop3A_195 : i32 to index
        %parallel_loop3A_264 = arith.constant 80 : index
        %parallel_loop3A_265 = tpu.vector_load %arg7[%parallel_loop3A_263, %parallel_loop3A_264] {strides = array<i32>} : memref<128x128xf32, #tpu.memory_space<vmem>>, vector<1x16xf32>,
        %parallel_loop3A_266 = vector.shape_cast %parallel_loop3A_265 : vector<1x16xf32> to vector<16xf32>
        %parallel_loop3A_267 = vector.shape_cast %parallel_loop3A_262 : vector<16xf32> to vector<1x16xf32>
        tpu.vector_store %arg7[%parallel_loop3A_263, %parallel_loop3A_264], %parallel_loop3A_267 {strides = array<i32>} : memref<128x128xf32, #tpu.memory_space<vmem>>, vector<1x16xf32>,
        %parallel_loop3A_268 = arith.index_cast %parallel_loop3A_195 : i32 to index
        %parallel_loop3A_269 = arith.constant 96 : index
        %parallel_loop3A_270 = tpu.vector_load %arg7[%parallel_loop3A_268, %parallel_loop3A_269] {strides = array<i32>} : memref<128x128xf32, #tpu.memory_space<vmem>>, vector<1x16xf32>,
        %parallel_loop3A_271 = vector.shape_cast %parallel_loop3A_270 : vector<1x16xf32> to vector<16xf32>
        %parallel_loop3A_272 = arith.constant 11.3137083 : f32
        %parallel_loop3A_273 = vector.broadcast %parallel_loop3A_272 : f32 to vector<16xf32>
        %parallel_loop3A_274 = arith.mulf %parallel_loop3A_271, %parallel_loop3A_273 : vector<16xf32>
        %parallel_loop3A_275 = arith.index_cast %parallel_loop3A_195 : i32 to index
        %parallel_loop3A_276 = arith.constant 96 : index
        %parallel_loop3A_277 = tpu.vector_load %arg7[%parallel_loop3A_275, %parallel_loop3A_276] {strides = array<i32>} : memref<128x128xf32, #tpu.memory_space<vmem>>, vector<1x16xf32>,
        %parallel_loop3A_278 = vector.shape_cast %parallel_loop3A_277 : vector<1x16xf32> to vector<16xf32>
        %parallel_loop3A_279 = vector.shape_cast %parallel_loop3A_274 : vector<16xf32> to vector<1x16xf32>
        tpu.vector_store %arg7[%parallel_loop3A_275, %parallel_loop3A_276], %parallel_loop3A_279 {strides = array<i32>} : memref<128x128xf32, #tpu.memory_space<vmem>>, vector<1x16xf32>,
        %parallel_loop3A_280 = arith.index_cast %parallel_loop3A_195 : i32 to index
        %parallel_loop3A_281 = arith.constant 112 : index
        %parallel_loop3A_282 = tpu.vector_load %arg7[%parallel_loop3A_280, %parallel_loop3A_281] {strides = array<i32>} : memref<128x128xf32, #tpu.memory_space<vmem>>, vector<1x16xf32>,
        %parallel_loop3A_283 = vector.shape_cast %parallel_loop3A_282 : vector<1x16xf32> to vector<16xf32>
        %parallel_loop3A_284 = arith.constant 11.3137083 : f32
        %parallel_loop3A_285 = vector.broadcast %parallel_loop3A_284 : f32 to vector<16xf32>
        %parallel_loop3A_286 = arith.mulf %parallel_loop3A_283, %parallel_loop3A_285 : vector<16xf32>
        %parallel_loop3A_287 = arith.index_cast %parallel_loop3A_195 : i32 to index
        %parallel_loop3A_288 = arith.constant 112 : index
        %parallel_loop3A_289 = tpu.vector_load %arg7[%parallel_loop3A_287, %parallel_loop3A_288] {strides = array<i32>} : memref<128x128xf32, #tpu.memory_space<vmem>>, vector<1x16xf32>,
        %parallel_loop3A_290 = vector.shape_cast %parallel_loop3A_289 : vector<1x16xf32> to vector<16xf32>
        %parallel_loop3A_291 = vector.shape_cast %parallel_loop3A_286 : vector<16xf32> to vector<1x16xf32>
        tpu.vector_store %arg7[%parallel_loop3A_287, %parallel_loop3A_288], %parallel_loop3A_291 {strides = array<i32>} : memref<128x128xf32, #tpu.memory_space<vmem>>, vector<1x16xf32>,
      } {sc.loop_unroll_factor = 4 : i64, sc.parallel_access}
      %mul3A_130 = arith.constant 128 : i32
      %mul3A_131 = arith.muli %add3A_111, %mul3A_130 : i32
      %add3A_132 = arith.addi %mul3A_2, %mul3A_131 : i32
      %dma_start3A_133 = arith.constant 0 : i32
      %dma_start3A_134 = tpu.memref_slice %arg4[%add3A_132, %dma_start3A_133] : memref<204800x128xf32, #tpu.memory_space<hbm>> -> memref<128x128xf32, #tpu.memory_space<hbm>>
      %dma_start3A_135 = arith.constant 0 : i32
      %dma_start3A_136 = tpu.memref_slice %arg4[%add3A_132, %dma_start3A_135] : memref<204800x128xf32, #tpu.memory_space<hbm>> -> memref<128x128xf32, #tpu.memory_space<hbm>>
      tpu.enqueue_dma source(%arg7 : memref<128x128xf32, #tpu.memory_space<vmem>>) target(%dma_start3A_136 : memref<128x128xf32, #tpu.memory_space<hbm>>) target_semaphore(%arg15 : memref<!tpu.dma_semaphore, #tpu.memory_space<semaphore_mem>>)
      %mul3A_137 = arith.constant 4 : i32
      %mul3A_138 = arith.muli %mul3A_137, %scan3A_82 : i32
      %add3A_139 = arith.constant 2 : i32
      %add3A_140 = arith.addi %mul3A_138, %add3A_139 : i32
      %add3A_141 = arith.constant 4 : i32
      %add3A_142 = arith.addi %add3A_140, %add3A_141 : i32
      %sub3A_143 = arith.constant 1 : i32
      %sub3A_144 = arith.subi %add3A_142, %sub3A_143 : i32
      %lt3A_145 = arith.constant 50 : i32
      %lt3A_146 = arith.cmpi slt, %sub3A_144, %lt3A_145 : i32
      %convert_element_type3A_147 = arith.extui %lt3A_146 : i1 to i32
      %cond3A_148 = arith.constant 0 : i32
      %cond3A_149 = arith.cmpi ne, %convert_element_type3A_147, %cond3A_148 : i32
      scf.if %cond3A_149 {
        %ge3A = arith.constant 1 : i32
        %ge3A_195 = arith.cmpi sge, %add3A_140, %ge3A : i32
        %convert_element_type3A_196 = arith.extui %ge3A_195 : i1 to i32
        %cond3A_197 = arith.constant 0 : i32
        %cond3A_198 = arith.cmpi ne, %convert_element_type3A_196, %cond3A_197 : i32
        scf.if %cond3A_198 {
          %sub3A_209 = arith.constant 1 : i32
          %sub3A_210 = arith.subi %add3A_140, %sub3A_209 : i32
          %mul3A_211 = arith.constant 128 : i32
          %mul3A_212 = arith.muli %sub3A_210, %mul3A_211 : i32
          %add3A_213 = arith.addi %mul3A_2, %mul3A_212 : i32
          %dma_wait3A_214 = arith.constant 0 : i32
          %dma_wait3A_215 = tpu.memref_slice %arg4[%add3A_213, %dma_wait3A_214] : memref<204800x128xf32, #tpu.memory_space<hbm>> -> memref<128x128xf32, #tpu.memory_space<hbm>>
          %dma_wait3A_216 = arith.constant 0 : i32
          %dma_wait3A_217 = tpu.memref_slice %arg4[%add3A_213, %dma_wait3A_216] : memref<204800x128xf32, #tpu.memory_space<hbm>> -> memref<128x128xf32, #tpu.memory_space<hbm>>
          tpu.wait_dma2 semaphore(%arg15 : memref<!tpu.dma_semaphore, #tpu.memory_space<semaphore_mem>>) src(%arg7 : memref<128x128xf32, #tpu.memory_space<vmem>>) dst(%dma_wait3A_217 : memref<128x128xf32, #tpu.memory_space<hbm>>)
        } else {
        }
        %add3A_199 = arith.constant 4 : i32
        %add3A_200 = arith.addi %add3A_140, %add3A_199 : i32
        %sub3A_201 = arith.constant 1 : i32
        %sub3A_202 = arith.subi %add3A_200, %sub3A_201 : i32
        %dma_start3A_203 = arith.constant 0 : i32
        %dma_start3A_204 = tpu.memref_slice %arg5[%sub3A_202, %dma_start3A_203] : memref<50x128xi32, #tpu.memory_space<vmem>> -> memref<1x128xi32, #tpu.memory_space<vmem>>
        %dma_start3A_205 = tpu.memref_squeeze %dma_start3A_204 : memref<1x128xi32, #tpu.memory_space<vmem>> -> memref<128xi32, #tpu.memory_space<vmem>>
        %dma_start3A_206 = arith.constant 0 : i32
        %dma_start3A_207 = arith.constant 0 : i32
        %dma_start3A_208 = tpu.memref_slice %arg3[%dma_start3A_206, %dma_start3A_207] : memref<100000x128xf32, #tpu.memory_space<hbm>> -> memref<100000x128xf32, #tpu.memory_space<hbm>>
        tpu.enqueue_indirect_dma source(%dma_start3A_208 : memref<100000x128xf32, #tpu.memory_space<hbm>>) target(%arg7 : memref<128x128xf32, #tpu.memory_space<vmem>>) offsets(%dma_start3A_205 : memref<128xi32, #tpu.memory_space<vmem>>) semaphore(%arg11 : memref<!tpu.dma_semaphore, #tpu.memory_space<semaphore_mem>>)
      } else {
      }
      %dma_wait3A_150 = arith.constant 0 : i32
      %dma_wait3A_151 = tpu.memref_slice %arg5[%add3A_140, %dma_wait3A_150] : memref<50x128xi32, #tpu.memory_space<vmem>> -> memref<1x128xi32, #tpu.memory_space<vmem>>
      %dma_wait3A_152 = tpu.memref_squeeze %dma_wait3A_151 : memref<1x128xi32, #tpu.memory_space<vmem>> -> memref<128xi32, #tpu.memory_space<vmem>>
      %dma_wait3A_153 = arith.constant 0 : i32
      %dma_wait3A_154 = arith.constant 0 : i32
      %dma_wait3A_155 = tpu.memref_slice %arg3[%dma_wait3A_153, %dma_wait3A_154] : memref<100000x128xf32, #tpu.memory_space<hbm>> -> memref<100000x128xf32, #tpu.memory_space<hbm>>
      tpu.wait_indirect_dma semaphore(%arg12 : memref<!tpu.dma_semaphore, #tpu.memory_space<semaphore_mem>>) src(%dma_wait3A_155 : memref<100000x128xf32, #tpu.memory_space<hbm>>) dst(%arg8 : memref<128x128xf32, #tpu.memory_space<vmem>>)
      %parallel_loop3A_156 = arith.constant 0 : i32
      %parallel_loop3A_157 = arith.constant 128 : i32
      %parallel_loop3A_158 = arith.constant 1 : i32
      scf.for %parallel_loop3A_195 = %parallel_loop3A_156 to %parallel_loop3A_157 step %parallel_loop3A_158  : i32 {
        %parallel_loop3A_196 = arith.index_cast %parallel_loop3A_195 : i32 to index
        %parallel_loop3A_197 = arith.constant 0 : index
        %parallel_loop3A_198 = tpu.vector_load %arg8[%parallel_loop3A_196, %parallel_loop3A_197] {strides = array<i32>} : memref<128x128xf32, #tpu.memory_space<vmem>>, vector<1x16xf32>,
        %parallel_loop3A_199 = vector.shape_cast %parallel_loop3A_198 : vector<1x16xf32> to vector<16xf32>
        %parallel_loop3A_200 = arith.constant 11.3137083 : f32
        %parallel_loop3A_201 = vector.broadcast %parallel_loop3A_200 : f32 to vector<16xf32>
        %parallel_loop3A_202 = arith.mulf %parallel_loop3A_199, %parallel_loop3A_201 : vector<16xf32>
        %parallel_loop3A_203 = arith.index_cast %parallel_loop3A_195 : i32 to index
        %parallel_loop3A_204 = arith.constant 0 : index
        %parallel_loop3A_205 = tpu.vector_load %arg8[%parallel_loop3A_203, %parallel_loop3A_204] {strides = array<i32>} : memref<128x128xf32, #tpu.memory_space<vmem>>, vector<1x16xf32>,
        %parallel_loop3A_206 = vector.shape_cast %parallel_loop3A_205 : vector<1x16xf32> to vector<16xf32>
        %parallel_loop3A_207 = vector.shape_cast %parallel_loop3A_202 : vector<16xf32> to vector<1x16xf32>
        tpu.vector_store %arg8[%parallel_loop3A_203, %parallel_loop3A_204], %parallel_loop3A_207 {strides = array<i32>} : memref<128x128xf32, #tpu.memory_space<vmem>>, vector<1x16xf32>,
        %parallel_loop3A_208 = arith.index_cast %parallel_loop3A_195 : i32 to index
        %parallel_loop3A_209 = arith.constant 16 : index
        %parallel_loop3A_210 = tpu.vector_load %arg8[%parallel_loop3A_208, %parallel_loop3A_209] {strides = array<i32>} : memref<128x128xf32, #tpu.memory_space<vmem>>, vector<1x16xf32>,
        %parallel_loop3A_211 = vector.shape_cast %parallel_loop3A_210 : vector<1x16xf32> to vector<16xf32>
        %parallel_loop3A_212 = arith.constant 11.3137083 : f32
        %parallel_loop3A_213 = vector.broadcast %parallel_loop3A_212 : f32 to vector<16xf32>
        %parallel_loop3A_214 = arith.mulf %parallel_loop3A_211, %parallel_loop3A_213 : vector<16xf32>
        %parallel_loop3A_215 = arith.index_cast %parallel_loop3A_195 : i32 to index
        %parallel_loop3A_216 = arith.constant 16 : index
        %parallel_loop3A_217 = tpu.vector_load %arg8[%parallel_loop3A_215, %parallel_loop3A_216] {strides = array<i32>} : memref<128x128xf32, #tpu.memory_space<vmem>>, vector<1x16xf32>,
        %parallel_loop3A_218 = vector.shape_cast %parallel_loop3A_217 : vector<1x16xf32> to vector<16xf32>
        %parallel_loop3A_219 = vector.shape_cast %parallel_loop3A_214 : vector<16xf32> to vector<1x16xf32>
        tpu.vector_store %arg8[%parallel_loop3A_215, %parallel_loop3A_216], %parallel_loop3A_219 {strides = array<i32>} : memref<128x128xf32, #tpu.memory_space<vmem>>, vector<1x16xf32>,
        %parallel_loop3A_220 = arith.index_cast %parallel_loop3A_195 : i32 to index
        %parallel_loop3A_221 = arith.constant 32 : index
        %parallel_loop3A_222 = tpu.vector_load %arg8[%parallel_loop3A_220, %parallel_loop3A_221] {strides = array<i32>} : memref<128x128xf32, #tpu.memory_space<vmem>>, vector<1x16xf32>,
        %parallel_loop3A_223 = vector.shape_cast %parallel_loop3A_222 : vector<1x16xf32> to vector<16xf32>
        %parallel_loop3A_224 = arith.constant 11.3137083 : f32
        %parallel_loop3A_225 = vector.broadcast %parallel_loop3A_224 : f32 to vector<16xf32>
        %parallel_loop3A_226 = arith.mulf %parallel_loop3A_223, %parallel_loop3A_225 : vector<16xf32>
        %parallel_loop3A_227 = arith.index_cast %parallel_loop3A_195 : i32 to index
        %parallel_loop3A_228 = arith.constant 32 : index
        %parallel_loop3A_229 = tpu.vector_load %arg8[%parallel_loop3A_227, %parallel_loop3A_228] {strides = array<i32>} : memref<128x128xf32, #tpu.memory_space<vmem>>, vector<1x16xf32>,
        %parallel_loop3A_230 = vector.shape_cast %parallel_loop3A_229 : vector<1x16xf32> to vector<16xf32>
        %parallel_loop3A_231 = vector.shape_cast %parallel_loop3A_226 : vector<16xf32> to vector<1x16xf32>
        tpu.vector_store %arg8[%parallel_loop3A_227, %parallel_loop3A_228], %parallel_loop3A_231 {strides = array<i32>} : memref<128x128xf32, #tpu.memory_space<vmem>>, vector<1x16xf32>,
        %parallel_loop3A_232 = arith.index_cast %parallel_loop3A_195 : i32 to index
        %parallel_loop3A_233 = arith.constant 48 : index
        %parallel_loop3A_234 = tpu.vector_load %arg8[%parallel_loop3A_232, %parallel_loop3A_233] {strides = array<i32>} : memref<128x128xf32, #tpu.memory_space<vmem>>, vector<1x16xf32>,
        %parallel_loop3A_235 = vector.shape_cast %parallel_loop3A_234 : vector<1x16xf32> to vector<16xf32>
        %parallel_loop3A_236 = arith.constant 11.3137083 : f32
        %parallel_loop3A_237 = vector.broadcast %parallel_loop3A_236 : f32 to vector<16xf32>
        %parallel_loop3A_238 = arith.mulf %parallel_loop3A_235, %parallel_loop3A_237 : vector<16xf32>
        %parallel_loop3A_239 = arith.index_cast %parallel_loop3A_195 : i32 to index
        %parallel_loop3A_240 = arith.constant 48 : index
        %parallel_loop3A_241 = tpu.vector_load %arg8[%parallel_loop3A_239, %parallel_loop3A_240] {strides = array<i32>} : memref<128x128xf32, #tpu.memory_space<vmem>>, vector<1x16xf32>,
        %parallel_loop3A_242 = vector.shape_cast %parallel_loop3A_241 : vector<1x16xf32> to vector<16xf32>
        %parallel_loop3A_243 = vector.shape_cast %parallel_loop3A_238 : vector<16xf32> to vector<1x16xf32>
        tpu.vector_store %arg8[%parallel_loop3A_239, %parallel_loop3A_240], %parallel_loop3A_243 {strides = array<i32>} : memref<128x128xf32, #tpu.memory_space<vmem>>, vector<1x16xf32>,
        %parallel_loop3A_244 = arith.index_cast %parallel_loop3A_195 : i32 to index
        %parallel_loop3A_245 = arith.constant 64 : index
        %parallel_loop3A_246 = tpu.vector_load %arg8[%parallel_loop3A_244, %parallel_loop3A_245] {strides = array<i32>} : memref<128x128xf32, #tpu.memory_space<vmem>>, vector<1x16xf32>,
        %parallel_loop3A_247 = vector.shape_cast %parallel_loop3A_246 : vector<1x16xf32> to vector<16xf32>
        %parallel_loop3A_248 = arith.constant 11.3137083 : f32
        %parallel_loop3A_249 = vector.broadcast %parallel_loop3A_248 : f32 to vector<16xf32>
        %parallel_loop3A_250 = arith.mulf %parallel_loop3A_247, %parallel_loop3A_249 : vector<16xf32>
        %parallel_loop3A_251 = arith.index_cast %parallel_loop3A_195 : i32 to index
        %parallel_loop3A_252 = arith.constant 64 : index
        %parallel_loop3A_253 = tpu.vector_load %arg8[%parallel_loop3A_251, %parallel_loop3A_252] {strides = array<i32>} : memref<128x128xf32, #tpu.memory_space<vmem>>, vector<1x16xf32>,
        %parallel_loop3A_254 = vector.shape_cast %parallel_loop3A_253 : vector<1x16xf32> to vector<16xf32>
        %parallel_loop3A_255 = vector.shape_cast %parallel_loop3A_250 : vector<16xf32> to vector<1x16xf32>
        tpu.vector_store %arg8[%parallel_loop3A_251, %parallel_loop3A_252], %parallel_loop3A_255 {strides = array<i32>} : memref<128x128xf32, #tpu.memory_space<vmem>>, vector<1x16xf32>,
        %parallel_loop3A_256 = arith.index_cast %parallel_loop3A_195 : i32 to index
        %parallel_loop3A_257 = arith.constant 80 : index
        %parallel_loop3A_258 = tpu.vector_load %arg8[%parallel_loop3A_256, %parallel_loop3A_257] {strides = array<i32>} : memref<128x128xf32, #tpu.memory_space<vmem>>, vector<1x16xf32>,
        %parallel_loop3A_259 = vector.shape_cast %parallel_loop3A_258 : vector<1x16xf32> to vector<16xf32>
        %parallel_loop3A_260 = arith.constant 11.3137083 : f32
        %parallel_loop3A_261 = vector.broadcast %parallel_loop3A_260 : f32 to vector<16xf32>
        %parallel_loop3A_262 = arith.mulf %parallel_loop3A_259, %parallel_loop3A_261 : vector<16xf32>
        %parallel_loop3A_263 = arith.index_cast %parallel_loop3A_195 : i32 to index
        %parallel_loop3A_264 = arith.constant 80 : index
        %parallel_loop3A_265 = tpu.vector_load %arg8[%parallel_loop3A_263, %parallel_loop3A_264] {strides = array<i32>} : memref<128x128xf32, #tpu.memory_space<vmem>>, vector<1x16xf32>,
        %parallel_loop3A_266 = vector.shape_cast %parallel_loop3A_265 : vector<1x16xf32> to vector<16xf32>
        %parallel_loop3A_267 = vector.shape_cast %parallel_loop3A_262 : vector<16xf32> to vector<1x16xf32>
        tpu.vector_store %arg8[%parallel_loop3A_263, %parallel_loop3A_264], %parallel_loop3A_267 {strides = array<i32>} : memref<128x128xf32, #tpu.memory_space<vmem>>, vector<1x16xf32>,
        %parallel_loop3A_268 = arith.index_cast %parallel_loop3A_195 : i32 to index
        %parallel_loop3A_269 = arith.constant 96 : index
        %parallel_loop3A_270 = tpu.vector_load %arg8[%parallel_loop3A_268, %parallel_loop3A_269] {strides = array<i32>} : memref<128x128xf32, #tpu.memory_space<vmem>>, vector<1x16xf32>,
        %parallel_loop3A_271 = vector.shape_cast %parallel_loop3A_270 : vector<1x16xf32> to vector<16xf32>
        %parallel_loop3A_272 = arith.constant 11.3137083 : f32
        %parallel_loop3A_273 = vector.broadcast %parallel_loop3A_272 : f32 to vector<16xf32>
        %parallel_loop3A_274 = arith.mulf %parallel_loop3A_271, %parallel_loop3A_273 : vector<16xf32>
        %parallel_loop3A_275 = arith.index_cast %parallel_loop3A_195 : i32 to index
        %parallel_loop3A_276 = arith.constant 96 : index
        %parallel_loop3A_277 = tpu.vector_load %arg8[%parallel_loop3A_275, %parallel_loop3A_276] {strides = array<i32>} : memref<128x128xf32, #tpu.memory_space<vmem>>, vector<1x16xf32>,
        %parallel_loop3A_278 = vector.shape_cast %parallel_loop3A_277 : vector<1x16xf32> to vector<16xf32>
        %parallel_loop3A_279 = vector.shape_cast %parallel_loop3A_274 : vector<16xf32> to vector<1x16xf32>
        tpu.vector_store %arg8[%parallel_loop3A_275, %parallel_loop3A_276], %parallel_loop3A_279 {strides = array<i32>} : memref<128x128xf32, #tpu.memory_space<vmem>>, vector<1x16xf32>,
        %parallel_loop3A_280 = arith.index_cast %parallel_loop3A_195 : i32 to index
        %parallel_loop3A_281 = arith.constant 112 : index
        %parallel_loop3A_282 = tpu.vector_load %arg8[%parallel_loop3A_280, %parallel_loop3A_281] {strides = array<i32>} : memref<128x128xf32, #tpu.memory_space<vmem>>, vector<1x16xf32>,
        %parallel_loop3A_283 = vector.shape_cast %parallel_loop3A_282 : vector<1x16xf32> to vector<16xf32>
        %parallel_loop3A_284 = arith.constant 11.3137083 : f32
        %parallel_loop3A_285 = vector.broadcast %parallel_loop3A_284 : f32 to vector<16xf32>
        %parallel_loop3A_286 = arith.mulf %parallel_loop3A_283, %parallel_loop3A_285 : vector<16xf32>
        %parallel_loop3A_287 = arith.index_cast %parallel_loop3A_195 : i32 to index
        %parallel_loop3A_288 = arith.constant 112 : index
        %parallel_loop3A_289 = tpu.vector_load %arg8[%parallel_loop3A_287, %parallel_loop3A_288] {strides = array<i32>} : memref<128x128xf32, #tpu.memory_space<vmem>>, vector<1x16xf32>,
        %parallel_loop3A_290 = vector.shape_cast %parallel_loop3A_289 : vector<1x16xf32> to vector<16xf32>
        %parallel_loop3A_291 = vector.shape_cast %parallel_loop3A_286 : vector<16xf32> to vector<1x16xf32>
        tpu.vector_store %arg8[%parallel_loop3A_287, %parallel_loop3A_288], %parallel_loop3A_291 {strides = array<i32>} : memref<128x128xf32, #tpu.memory_space<vmem>>, vector<1x16xf32>,
      } {sc.loop_unroll_factor = 4 : i64, sc.parallel_access}
      %mul3A_159 = arith.constant 128 : i32
      %mul3A_160 = arith.muli %add3A_140, %mul3A_159 : i32
      %add3A_161 = arith.addi %mul3A_2, %mul3A_160 : i32
      %dma_start3A_162 = arith.constant 0 : i32
      %dma_start3A_163 = tpu.memref_slice %arg4[%add3A_161, %dma_start3A_162] : memref<204800x128xf32, #tpu.memory_space<hbm>> -> memref<128x128xf32, #tpu.memory_space<hbm>>
      %dma_start3A_164 = arith.constant 0 : i32
      %dma_start3A_165 = tpu.memref_slice %arg4[%add3A_161, %dma_start3A_164] : memref<204800x128xf32, #tpu.memory_space<hbm>> -> memref<128x128xf32, #tpu.memory_space<hbm>>
      tpu.enqueue_dma source(%arg8 : memref<128x128xf32, #tpu.memory_space<vmem>>) target(%dma_start3A_165 : memref<128x128xf32, #tpu.memory_space<hbm>>) target_semaphore(%arg16 : memref<!tpu.dma_semaphore, #tpu.memory_space<semaphore_mem>>)
      %mul3A_166 = arith.constant 4 : i32
      %mul3A_167 = arith.muli %mul3A_166, %scan3A_82 : i32
      %add3A_168 = arith.constant 3 : i32
      %add3A_169 = arith.addi %mul3A_167, %add3A_168 : i32
      %add3A_170 = arith.constant 4 : i32
      %add3A_171 = arith.addi %add3A_169, %add3A_170 : i32
      %sub3A_172 = arith.constant 1 : i32
      %sub3A_173 = arith.subi %add3A_171, %sub3A_172 : i32
      %lt3A_174 = arith.constant 50 : i32
      %lt3A_175 = arith.cmpi slt, %sub3A_173, %lt3A_174 : i32
      %convert_element_type3A_176 = arith.extui %lt3A_175 : i1 to i32
      %cond3A_177 = arith.constant 0 : i32
      %cond3A_178 = arith.cmpi ne, %convert_element_type3A_176, %cond3A_177 : i32
      scf.if %cond3A_178 {
        %ge3A = arith.constant 1 : i32
        %ge3A_195 = arith.cmpi sge, %add3A_169, %ge3A : i32
        %convert_element_type3A_196 = arith.extui %ge3A_195 : i1 to i32
        %cond3A_197 = arith.constant 0 : i32
        %cond3A_198 = arith.cmpi ne, %convert_element_type3A_196, %cond3A_197 : i32
        scf.if %cond3A_198 {
          %sub3A_209 = arith.constant 1 : i32
          %sub3A_210 = arith.subi %add3A_169, %sub3A_209 : i32
          %mul3A_211 = arith.constant 128 : i32
          %mul3A_212 = arith.muli %sub3A_210, %mul3A_211 : i32
          %add3A_213 = arith.addi %mul3A_2, %mul3A_212 : i32
          %dma_wait3A_214 = arith.constant 0 : i32
          %dma_wait3A_215 = tpu.memref_slice %arg4[%add3A_213, %dma_wait3A_214] : memref<204800x128xf32, #tpu.memory_space<hbm>> -> memref<128x128xf32, #tpu.memory_space<hbm>>
          %dma_wait3A_216 = arith.constant 0 : i32
          %dma_wait3A_217 = tpu.memref_slice %arg4[%add3A_213, %dma_wait3A_216] : memref<204800x128xf32, #tpu.memory_space<hbm>> -> memref<128x128xf32, #tpu.memory_space<hbm>>
          tpu.wait_dma2 semaphore(%arg16 : memref<!tpu.dma_semaphore, #tpu.memory_space<semaphore_mem>>) src(%arg8 : memref<128x128xf32, #tpu.memory_space<vmem>>) dst(%dma_wait3A_217 : memref<128x128xf32, #tpu.memory_space<hbm>>)
        } else {
        }
        %add3A_199 = arith.constant 4 : i32
        %add3A_200 = arith.addi %add3A_169, %add3A_199 : i32
        %sub3A_201 = arith.constant 1 : i32
        %sub3A_202 = arith.subi %add3A_200, %sub3A_201 : i32
        %dma_start3A_203 = arith.constant 0 : i32
        %dma_start3A_204 = tpu.memref_slice %arg5[%sub3A_202, %dma_start3A_203] : memref<50x128xi32, #tpu.memory_space<vmem>> -> memref<1x128xi32, #tpu.memory_space<vmem>>
        %dma_start3A_205 = tpu.memref_squeeze %dma_start3A_204 : memref<1x128xi32, #tpu.memory_space<vmem>> -> memref<128xi32, #tpu.memory_space<vmem>>
        %dma_start3A_206 = arith.constant 0 : i32
        %dma_start3A_207 = arith.constant 0 : i32
        %dma_start3A_208 = tpu.memref_slice %arg3[%dma_start3A_206, %dma_start3A_207] : memref<100000x128xf32, #tpu.memory_space<hbm>> -> memref<100000x128xf32, #tpu.memory_space<hbm>>
        tpu.enqueue_indirect_dma source(%dma_start3A_208 : memref<100000x128xf32, #tpu.memory_space<hbm>>) target(%arg8 : memref<128x128xf32, #tpu.memory_space<vmem>>) offsets(%dma_start3A_205 : memref<128xi32, #tpu.memory_space<vmem>>) semaphore(%arg12 : memref<!tpu.dma_semaphore, #tpu.memory_space<semaphore_mem>>)
      } else {
      }
      %dma_wait3A_179 = arith.constant 0 : i32
      %dma_wait3A_180 = tpu.memref_slice %arg5[%add3A_169, %dma_wait3A_179] : memref<50x128xi32, #tpu.memory_space<vmem>> -> memref<1x128xi32, #tpu.memory_space<vmem>>
      %dma_wait3A_181 = tpu.memref_squeeze %dma_wait3A_180 : memref<1x128xi32, #tpu.memory_space<vmem>> -> memref<128xi32, #tpu.memory_space<vmem>>
      %dma_wait3A_182 = arith.constant 0 : i32
      %dma_wait3A_183 = arith.constant 0 : i32
      %dma_wait3A_184 = tpu.memref_slice %arg3[%dma_wait3A_182, %dma_wait3A_183] : memref<100000x128xf32, #tpu.memory_space<hbm>> -> memref<100000x128xf32, #tpu.memory_space<hbm>>
      tpu.wait_indirect_dma semaphore(%arg13 : memref<!tpu.dma_semaphore, #tpu.memory_space<semaphore_mem>>) src(%dma_wait3A_184 : memref<100000x128xf32, #tpu.memory_space<hbm>>) dst(%arg9 : memref<128x128xf32, #tpu.memory_space<vmem>>)
      %parallel_loop3A_185 = arith.constant 0 : i32
      %parallel_loop3A_186 = arith.constant 128 : i32
      %parallel_loop3A_187 = arith.constant 1 : i32
      scf.for %parallel_loop3A_195 = %parallel_loop3A_185 to %parallel_loop3A_186 step %parallel_loop3A_187  : i32 {
        %parallel_loop3A_196 = arith.index_cast %parallel_loop3A_195 : i32 to index
        %parallel_loop3A_197 = arith.constant 0 : index
        %parallel_loop3A_198 = tpu.vector_load %arg9[%parallel_loop3A_196, %parallel_loop3A_197] {strides = array<i32>} : memref<128x128xf32, #tpu.memory_space<vmem>>, vector<1x16xf32>,
        %parallel_loop3A_199 = vector.shape_cast %parallel_loop3A_198 : vector<1x16xf32> to vector<16xf32>
        %parallel_loop3A_200 = arith.constant 11.3137083 : f32
        %parallel_loop3A_201 = vector.broadcast %parallel_loop3A_200 : f32 to vector<16xf32>
        %parallel_loop3A_202 = arith.mulf %parallel_loop3A_199, %parallel_loop3A_201 : vector<16xf32>
        %parallel_loop3A_203 = arith.index_cast %parallel_loop3A_195 : i32 to index
        %parallel_loop3A_204 = arith.constant 0 : index
        %parallel_loop3A_205 = tpu.vector_load %arg9[%parallel_loop3A_203, %parallel_loop3A_204] {strides = array<i32>} : memref<128x128xf32, #tpu.memory_space<vmem>>, vector<1x16xf32>,
        %parallel_loop3A_206 = vector.shape_cast %parallel_loop3A_205 : vector<1x16xf32> to vector<16xf32>
        %parallel_loop3A_207 = vector.shape_cast %parallel_loop3A_202 : vector<16xf32> to vector<1x16xf32>
        tpu.vector_store %arg9[%parallel_loop3A_203, %parallel_loop3A_204], %parallel_loop3A_207 {strides = array<i32>} : memref<128x128xf32, #tpu.memory_space<vmem>>, vector<1x16xf32>,
        %parallel_loop3A_208 = arith.index_cast %parallel_loop3A_195 : i32 to index
        %parallel_loop3A_209 = arith.constant 16 : index
        %parallel_loop3A_210 = tpu.vector_load %arg9[%parallel_loop3A_208, %parallel_loop3A_209] {strides = array<i32>} : memref<128x128xf32, #tpu.memory_space<vmem>>, vector<1x16xf32>,
        %parallel_loop3A_211 = vector.shape_cast %parallel_loop3A_210 : vector<1x16xf32> to vector<16xf32>
        %parallel_loop3A_212 = arith.constant 11.3137083 : f32
        %parallel_loop3A_213 = vector.broadcast %parallel_loop3A_212 : f32 to vector<16xf32>
        %parallel_loop3A_214 = arith.mulf %parallel_loop3A_211, %parallel_loop3A_213 : vector<16xf32>
        %parallel_loop3A_215 = arith.index_cast %parallel_loop3A_195 : i32 to index
        %parallel_loop3A_216 = arith.constant 16 : index
        %parallel_loop3A_217 = tpu.vector_load %arg9[%parallel_loop3A_215, %parallel_loop3A_216] {strides = array<i32>} : memref<128x128xf32, #tpu.memory_space<vmem>>, vector<1x16xf32>,
        %parallel_loop3A_218 = vector.shape_cast %parallel_loop3A_217 : vector<1x16xf32> to vector<16xf32>
        %parallel_loop3A_219 = vector.shape_cast %parallel_loop3A_214 : vector<16xf32> to vector<1x16xf32>
        tpu.vector_store %arg9[%parallel_loop3A_215, %parallel_loop3A_216], %parallel_loop3A_219 {strides = array<i32>} : memref<128x128xf32, #tpu.memory_space<vmem>>, vector<1x16xf32>,
        %parallel_loop3A_220 = arith.index_cast %parallel_loop3A_195 : i32 to index
        %parallel_loop3A_221 = arith.constant 32 : index
        %parallel_loop3A_222 = tpu.vector_load %arg9[%parallel_loop3A_220, %parallel_loop3A_221] {strides = array<i32>} : memref<128x128xf32, #tpu.memory_space<vmem>>, vector<1x16xf32>,
        %parallel_loop3A_223 = vector.shape_cast %parallel_loop3A_222 : vector<1x16xf32> to vector<16xf32>
        %parallel_loop3A_224 = arith.constant 11.3137083 : f32
        %parallel_loop3A_225 = vector.broadcast %parallel_loop3A_224 : f32 to vector<16xf32>
        %parallel_loop3A_226 = arith.mulf %parallel_loop3A_223, %parallel_loop3A_225 : vector<16xf32>
        %parallel_loop3A_227 = arith.index_cast %parallel_loop3A_195 : i32 to index
        %parallel_loop3A_228 = arith.constant 32 : index
        %parallel_loop3A_229 = tpu.vector_load %arg9[%parallel_loop3A_227, %parallel_loop3A_228] {strides = array<i32>} : memref<128x128xf32, #tpu.memory_space<vmem>>, vector<1x16xf32>,
        %parallel_loop3A_230 = vector.shape_cast %parallel_loop3A_229 : vector<1x16xf32> to vector<16xf32>
        %parallel_loop3A_231 = vector.shape_cast %parallel_loop3A_226 : vector<16xf32> to vector<1x16xf32>
        tpu.vector_store %arg9[%parallel_loop3A_227, %parallel_loop3A_228], %parallel_loop3A_231 {strides = array<i32>} : memref<128x128xf32, #tpu.memory_space<vmem>>, vector<1x16xf32>,
        %parallel_loop3A_232 = arith.index_cast %parallel_loop3A_195 : i32 to index
        %parallel_loop3A_233 = arith.constant 48 : index
        %parallel_loop3A_234 = tpu.vector_load %arg9[%parallel_loop3A_232, %parallel_loop3A_233] {strides = array<i32>} : memref<128x128xf32, #tpu.memory_space<vmem>>, vector<1x16xf32>,
        %parallel_loop3A_235 = vector.shape_cast %parallel_loop3A_234 : vector<1x16xf32> to vector<16xf32>
        %parallel_loop3A_236 = arith.constant 11.3137083 : f32
        %parallel_loop3A_237 = vector.broadcast %parallel_loop3A_236 : f32 to vector<16xf32>
        %parallel_loop3A_238 = arith.mulf %parallel_loop3A_235, %parallel_loop3A_237 : vector<16xf32>
        %parallel_loop3A_239 = arith.index_cast %parallel_loop3A_195 : i32 to index
        %parallel_loop3A_240 = arith.constant 48 : index
        %parallel_loop3A_241 = tpu.vector_load %arg9[%parallel_loop3A_239, %parallel_loop3A_240] {strides = array<i32>} : memref<128x128xf32, #tpu.memory_space<vmem>>, vector<1x16xf32>,
        %parallel_loop3A_242 = vector.shape_cast %parallel_loop3A_241 : vector<1x16xf32> to vector<16xf32>
        %parallel_loop3A_243 = vector.shape_cast %parallel_loop3A_238 : vector<16xf32> to vector<1x16xf32>
        tpu.vector_store %arg9[%parallel_loop3A_239, %parallel_loop3A_240], %parallel_loop3A_243 {strides = array<i32>} : memref<128x128xf32, #tpu.memory_space<vmem>>, vector<1x16xf32>,
        %parallel_loop3A_244 = arith.index_cast %parallel_loop3A_195 : i32 to index
        %parallel_loop3A_245 = arith.constant 64 : index
        %parallel_loop3A_246 = tpu.vector_load %arg9[%parallel_loop3A_244, %parallel_loop3A_245] {strides = array<i32>} : memref<128x128xf32, #tpu.memory_space<vmem>>, vector<1x16xf32>,
        %parallel_loop3A_247 = vector.shape_cast %parallel_loop3A_246 : vector<1x16xf32> to vector<16xf32>
        %parallel_loop3A_248 = arith.constant 11.3137083 : f32
        %parallel_loop3A_249 = vector.broadcast %parallel_loop3A_248 : f32 to vector<16xf32>
        %parallel_loop3A_250 = arith.mulf %parallel_loop3A_247, %parallel_loop3A_249 : vector<16xf32>
        %parallel_loop3A_251 = arith.index_cast %parallel_loop3A_195 : i32 to index
        %parallel_loop3A_252 = arith.constant 64 : index
        %parallel_loop3A_253 = tpu.vector_load %arg9[%parallel_loop3A_251, %parallel_loop3A_252] {strides = array<i32>} : memref<128x128xf32, #tpu.memory_space<vmem>>, vector<1x16xf32>,
        %parallel_loop3A_254 = vector.shape_cast %parallel_loop3A_253 : vector<1x16xf32> to vector<16xf32>
        %parallel_loop3A_255 = vector.shape_cast %parallel_loop3A_250 : vector<16xf32> to vector<1x16xf32>
        tpu.vector_store %arg9[%parallel_loop3A_251, %parallel_loop3A_252], %parallel_loop3A_255 {strides = array<i32>} : memref<128x128xf32, #tpu.memory_space<vmem>>, vector<1x16xf32>,
        %parallel_loop3A_256 = arith.index_cast %parallel_loop3A_195 : i32 to index
        %parallel_loop3A_257 = arith.constant 80 : index
        %parallel_loop3A_258 = tpu.vector_load %arg9[%parallel_loop3A_256, %parallel_loop3A_257] {strides = array<i32>} : memref<128x128xf32, #tpu.memory_space<vmem>>, vector<1x16xf32>,
        %parallel_loop3A_259 = vector.shape_cast %parallel_loop3A_258 : vector<1x16xf32> to vector<16xf32>
        %parallel_loop3A_260 = arith.constant 11.3137083 : f32
        %parallel_loop3A_261 = vector.broadcast %parallel_loop3A_260 : f32 to vector<16xf32>
        %parallel_loop3A_262 = arith.mulf %parallel_loop3A_259, %parallel_loop3A_261 : vector<16xf32>
        %parallel_loop3A_263 = arith.index_cast %parallel_loop3A_195 : i32 to index
        %parallel_loop3A_264 = arith.constant 80 : index
        %parallel_loop3A_265 = tpu.vector_load %arg9[%parallel_loop3A_263, %parallel_loop3A_264] {strides = array<i32>} : memref<128x128xf32, #tpu.memory_space<vmem>>, vector<1x16xf32>,
        %parallel_loop3A_266 = vector.shape_cast %parallel_loop3A_265 : vector<1x16xf32> to vector<16xf32>
        %parallel_loop3A_267 = vector.shape_cast %parallel_loop3A_262 : vector<16xf32> to vector<1x16xf32>
        tpu.vector_store %arg9[%parallel_loop3A_263, %parallel_loop3A_264], %parallel_loop3A_267 {strides = array<i32>} : memref<128x128xf32, #tpu.memory_space<vmem>>, vector<1x16xf32>,
        %parallel_loop3A_268 = arith.index_cast %parallel_loop3A_195 : i32 to index
        %parallel_loop3A_269 = arith.constant 96 : index
        %parallel_loop3A_270 = tpu.vector_load %arg9[%parallel_loop3A_268, %parallel_loop3A_269] {strides = array<i32>} : memref<128x128xf32, #tpu.memory_space<vmem>>, vector<1x16xf32>,
        %parallel_loop3A_271 = vector.shape_cast %parallel_loop3A_270 : vector<1x16xf32> to vector<16xf32>
        %parallel_loop3A_272 = arith.constant 11.3137083 : f32
        %parallel_loop3A_273 = vector.broadcast %parallel_loop3A_272 : f32 to vector<16xf32>
        %parallel_loop3A_274 = arith.mulf %parallel_loop3A_271, %parallel_loop3A_273 : vector<16xf32>
        %parallel_loop3A_275 = arith.index_cast %parallel_loop3A_195 : i32 to index
        %parallel_loop3A_276 = arith.constant 96 : index
        %parallel_loop3A_277 = tpu.vector_load %arg9[%parallel_loop3A_275, %parallel_loop3A_276] {strides = array<i32>} : memref<128x128xf32, #tpu.memory_space<vmem>>, vector<1x16xf32>,
        %parallel_loop3A_278 = vector.shape_cast %parallel_loop3A_277 : vector<1x16xf32> to vector<16xf32>
        %parallel_loop3A_279 = vector.shape_cast %parallel_loop3A_274 : vector<16xf32> to vector<1x16xf32>
        tpu.vector_store %arg9[%parallel_loop3A_275, %parallel_loop3A_276], %parallel_loop3A_279 {strides = array<i32>} : memref<128x128xf32, #tpu.memory_space<vmem>>, vector<1x16xf32>,
        %parallel_loop3A_280 = arith.index_cast %parallel_loop3A_195 : i32 to index
        %parallel_loop3A_281 = arith.constant 112 : index
        %parallel_loop3A_282 = tpu.vector_load %arg9[%parallel_loop3A_280, %parallel_loop3A_281] {strides = array<i32>} : memref<128x128xf32, #tpu.memory_space<vmem>>, vector<1x16xf32>,
        %parallel_loop3A_283 = vector.shape_cast %parallel_loop3A_282 : vector<1x16xf32> to vector<16xf32>
        %parallel_loop3A_284 = arith.constant 11.3137083 : f32
        %parallel_loop3A_285 = vector.broadcast %parallel_loop3A_284 : f32 to vector<16xf32>
        %parallel_loop3A_286 = arith.mulf %parallel_loop3A_283, %parallel_loop3A_285 : vector<16xf32>
        %parallel_loop3A_287 = arith.index_cast %parallel_loop3A_195 : i32 to index
        %parallel_loop3A_288 = arith.constant 112 : index
        %parallel_loop3A_289 = tpu.vector_load %arg9[%parallel_loop3A_287, %parallel_loop3A_288] {strides = array<i32>} : memref<128x128xf32, #tpu.memory_space<vmem>>, vector<1x16xf32>,
        %parallel_loop3A_290 = vector.shape_cast %parallel_loop3A_289 : vector<1x16xf32> to vector<16xf32>
        %parallel_loop3A_291 = vector.shape_cast %parallel_loop3A_286 : vector<16xf32> to vector<1x16xf32>
        tpu.vector_store %arg9[%parallel_loop3A_287, %parallel_loop3A_288], %parallel_loop3A_291 {strides = array<i32>} : memref<128x128xf32, #tpu.memory_space<vmem>>, vector<1x16xf32>,
      } {sc.loop_unroll_factor = 4 : i64, sc.parallel_access}
      %mul3A_188 = arith.constant 128 : i32
      %mul3A_189 = arith.muli %add3A_169, %mul3A_188 : i32
      %add3A_190 = arith.addi %mul3A_2, %mul3A_189 : i32
      %dma_start3A_191 = arith.constant 0 : i32
      %dma_start3A_192 = tpu.memref_slice %arg4[%add3A_190, %dma_start3A_191] : memref<204800x128xf32, #tpu.memory_space<hbm>> -> memref<128x128xf32, #tpu.memory_space<hbm>>
      %dma_start3A_193 = arith.constant 0 : i32
      %dma_start3A_194 = tpu.memref_slice %arg4[%add3A_190, %dma_start3A_193] : memref<204800x128xf32, #tpu.memory_space<hbm>> -> memref<128x128xf32, #tpu.memory_space<hbm>>
      tpu.enqueue_dma source(%arg9 : memref<128x128xf32, #tpu.memory_space<vmem>>) target(%dma_start3A_194 : memref<128x128xf32, #tpu.memory_space<hbm>>) target_semaphore(%arg17 : memref<!tpu.dma_semaphore, #tpu.memory_space<semaphore_mem>>)
    }
    %scan3A_27 = arith.constant 12 : i32
    %dma_wait3A = arith.constant 48 : i32
    %dma_wait3A_28 = arith.constant 0 : i32
    %dma_wait3A_29 = tpu.memref_slice %arg5[%dma_wait3A, %dma_wait3A_28] : memref<50x128xi32, #tpu.memory_space<vmem>> -> memref<1x128xi32, #tpu.memory_space<vmem>>
    %dma_wait3A_30 = tpu.memref_squeeze %dma_wait3A_29 : memref<1x128xi32, #tpu.memory_space<vmem>> -> memref<128xi32, #tpu.memory_space<vmem>>
    %dma_wait3A_31 = arith.constant 0 : i32
    %dma_wait3A_32 = arith.constant 0 : i32
    %dma_wait3A_33 = tpu.memref_slice %arg3[%dma_wait3A_31, %dma_wait3A_32] : memref<100000x128xf32, #tpu.memory_space<hbm>> -> memref<100000x128xf32, #tpu.memory_space<hbm>>
    tpu.wait_indirect_dma semaphore(%arg10 : memref<!tpu.dma_semaphore, #tpu.memory_space<semaphore_mem>>) src(%dma_wait3A_33 : memref<100000x128xf32, #tpu.memory_space<hbm>>) dst(%arg6 : memref<128x128xf32, #tpu.memory_space<vmem>>)
    %parallel_loop3A = arith.constant 0 : i32
    %parallel_loop3A_34 = arith.constant 128 : i32
    %parallel_loop3A_35 = arith.constant 1 : i32
    scf.for %parallel_loop3A_82 = %parallel_loop3A to %parallel_loop3A_34 step %parallel_loop3A_35  : i32 {
      %parallel_loop3A_83 = arith.index_cast %parallel_loop3A_82 : i32 to index
      %parallel_loop3A_84 = arith.constant 0 : index
      %parallel_loop3A_85 = tpu.vector_load %arg6[%parallel_loop3A_83, %parallel_loop3A_84] {strides = array<i32>} : memref<128x128xf32, #tpu.memory_space<vmem>>, vector<1x16xf32>,
      %parallel_loop3A_86 = vector.shape_cast %parallel_loop3A_85 : vector<1x16xf32> to vector<16xf32>
      %parallel_loop3A_87 = arith.constant 11.3137083 : f32
      %parallel_loop3A_88 = vector.broadcast %parallel_loop3A_87 : f32 to vector<16xf32>
      %parallel_loop3A_89 = arith.mulf %parallel_loop3A_86, %parallel_loop3A_88 : vector<16xf32>
      %parallel_loop3A_90 = arith.index_cast %parallel_loop3A_82 : i32 to index
      %parallel_loop3A_91 = arith.constant 0 : index
      %parallel_loop3A_92 = tpu.vector_load %arg6[%parallel_loop3A_90, %parallel_loop3A_91] {strides = array<i32>} : memref<128x128xf32, #tpu.memory_space<vmem>>, vector<1x16xf32>,
      %parallel_loop3A_93 = vector.shape_cast %parallel_loop3A_92 : vector<1x16xf32> to vector<16xf32>
      %parallel_loop3A_94 = vector.shape_cast %parallel_loop3A_89 : vector<16xf32> to vector<1x16xf32>
      tpu.vector_store %arg6[%parallel_loop3A_90, %parallel_loop3A_91], %parallel_loop3A_94 {strides = array<i32>} : memref<128x128xf32, #tpu.memory_space<vmem>>, vector<1x16xf32>,
      %parallel_loop3A_95 = arith.index_cast %parallel_loop3A_82 : i32 to index
      %parallel_loop3A_96 = arith.constant 16 : index
      %parallel_loop3A_97 = tpu.vector_load %arg6[%parallel_loop3A_95, %parallel_loop3A_96] {strides = array<i32>} : memref<128x128xf32, #tpu.memory_space<vmem>>, vector<1x16xf32>,
      %parallel_loop3A_98 = vector.shape_cast %parallel_loop3A_97 : vector<1x16xf32> to vector<16xf32>
      %parallel_loop3A_99 = arith.constant 11.3137083 : f32
      %parallel_loop3A_100 = vector.broadcast %parallel_loop3A_99 : f32 to vector<16xf32>
      %parallel_loop3A_101 = arith.mulf %parallel_loop3A_98, %parallel_loop3A_100 : vector<16xf32>
      %parallel_loop3A_102 = arith.index_cast %parallel_loop3A_82 : i32 to index
      %parallel_loop3A_103 = arith.constant 16 : index
      %parallel_loop3A_104 = tpu.vector_load %arg6[%parallel_loop3A_102, %parallel_loop3A_103] {strides = array<i32>} : memref<128x128xf32, #tpu.memory_space<vmem>>, vector<1x16xf32>,
      %parallel_loop3A_105 = vector.shape_cast %parallel_loop3A_104 : vector<1x16xf32> to vector<16xf32>
      %parallel_loop3A_106 = vector.shape_cast %parallel_loop3A_101 : vector<16xf32> to vector<1x16xf32>
      tpu.vector_store %arg6[%parallel_loop3A_102, %parallel_loop3A_103], %parallel_loop3A_106 {strides = array<i32>} : memref<128x128xf32, #tpu.memory_space<vmem>>, vector<1x16xf32>,
      %parallel_loop3A_107 = arith.index_cast %parallel_loop3A_82 : i32 to index
      %parallel_loop3A_108 = arith.constant 32 : index
      %parallel_loop3A_109 = tpu.vector_load %arg6[%parallel_loop3A_107, %parallel_loop3A_108] {strides = array<i32>} : memref<128x128xf32, #tpu.memory_space<vmem>>, vector<1x16xf32>,
      %parallel_loop3A_110 = vector.shape_cast %parallel_loop3A_109 : vector<1x16xf32> to vector<16xf32>
      %parallel_loop3A_111 = arith.constant 11.3137083 : f32
      %parallel_loop3A_112 = vector.broadcast %parallel_loop3A_111 : f32 to vector<16xf32>
      %parallel_loop3A_113 = arith.mulf %parallel_loop3A_110, %parallel_loop3A_112 : vector<16xf32>
      %parallel_loop3A_114 = arith.index_cast %parallel_loop3A_82 : i32 to index
      %parallel_loop3A_115 = arith.constant 32 : index
      %parallel_loop3A_116 = tpu.vector_load %arg6[%parallel_loop3A_114, %parallel_loop3A_115] {strides = array<i32>} : memref<128x128xf32, #tpu.memory_space<vmem>>, vector<1x16xf32>,
      %parallel_loop3A_117 = vector.shape_cast %parallel_loop3A_116 : vector<1x16xf32> to vector<16xf32>
      %parallel_loop3A_118 = vector.shape_cast %parallel_loop3A_113 : vector<16xf32> to vector<1x16xf32>
      tpu.vector_store %arg6[%parallel_loop3A_114, %parallel_loop3A_115], %parallel_loop3A_118 {strides = array<i32>} : memref<128x128xf32, #tpu.memory_space<vmem>>, vector<1x16xf32>,
      %parallel_loop3A_119 = arith.index_cast %parallel_loop3A_82 : i32 to index
      %parallel_loop3A_120 = arith.constant 48 : index
      %parallel_loop3A_121 = tpu.vector_load %arg6[%parallel_loop3A_119, %parallel_loop3A_120] {strides = array<i32>} : memref<128x128xf32, #tpu.memory_space<vmem>>, vector<1x16xf32>,
      %parallel_loop3A_122 = vector.shape_cast %parallel_loop3A_121 : vector<1x16xf32> to vector<16xf32>
      %parallel_loop3A_123 = arith.constant 11.3137083 : f32
      %parallel_loop3A_124 = vector.broadcast %parallel_loop3A_123 : f32 to vector<16xf32>
      %parallel_loop3A_125 = arith.mulf %parallel_loop3A_122, %parallel_loop3A_124 : vector<16xf32>
      %parallel_loop3A_126 = arith.index_cast %parallel_loop3A_82 : i32 to index
      %parallel_loop3A_127 = arith.constant 48 : index
      %parallel_loop3A_128 = tpu.vector_load %arg6[%parallel_loop3A_126, %parallel_loop3A_127] {strides = array<i32>} : memref<128x128xf32, #tpu.memory_space<vmem>>, vector<1x16xf32>,
      %parallel_loop3A_129 = vector.shape_cast %parallel_loop3A_128 : vector<1x16xf32> to vector<16xf32>
      %parallel_loop3A_130 = vector.shape_cast %parallel_loop3A_125 : vector<16xf32> to vector<1x16xf32>
      tpu.vector_store %arg6[%parallel_loop3A_126, %parallel_loop3A_127], %parallel_loop3A_130 {strides = array<i32>} : memref<128x128xf32, #tpu.memory_space<vmem>>, vector<1x16xf32>,
      %parallel_loop3A_131 = arith.index_cast %parallel_loop3A_82 : i32 to index
      %parallel_loop3A_132 = arith.constant 64 : index
      %parallel_loop3A_133 = tpu.vector_load %arg6[%parallel_loop3A_131, %parallel_loop3A_132] {strides = array<i32>} : memref<128x128xf32, #tpu.memory_space<vmem>>, vector<1x16xf32>,
      %parallel_loop3A_134 = vector.shape_cast %parallel_loop3A_133 : vector<1x16xf32> to vector<16xf32>
      %parallel_loop3A_135 = arith.constant 11.3137083 : f32
      %parallel_loop3A_136 = vector.broadcast %parallel_loop3A_135 : f32 to vector<16xf32>
      %parallel_loop3A_137 = arith.mulf %parallel_loop3A_134, %parallel_loop3A_136 : vector<16xf32>
      %parallel_loop3A_138 = arith.index_cast %parallel_loop3A_82 : i32 to index
      %parallel_loop3A_139 = arith.constant 64 : index
      %parallel_loop3A_140 = tpu.vector_load %arg6[%parallel_loop3A_138, %parallel_loop3A_139] {strides = array<i32>} : memref<128x128xf32, #tpu.memory_space<vmem>>, vector<1x16xf32>,
      %parallel_loop3A_141 = vector.shape_cast %parallel_loop3A_140 : vector<1x16xf32> to vector<16xf32>
      %parallel_loop3A_142 = vector.shape_cast %parallel_loop3A_137 : vector<16xf32> to vector<1x16xf32>
      tpu.vector_store %arg6[%parallel_loop3A_138, %parallel_loop3A_139], %parallel_loop3A_142 {strides = array<i32>} : memref<128x128xf32, #tpu.memory_space<vmem>>, vector<1x16xf32>,
      %parallel_loop3A_143 = arith.index_cast %parallel_loop3A_82 : i32 to index
      %parallel_loop3A_144 = arith.constant 80 : index
      %parallel_loop3A_145 = tpu.vector_load %arg6[%parallel_loop3A_143, %parallel_loop3A_144] {strides = array<i32>} : memref<128x128xf32, #tpu.memory_space<vmem>>, vector<1x16xf32>,
      %parallel_loop3A_146 = vector.shape_cast %parallel_loop3A_145 : vector<1x16xf32> to vector<16xf32>
      %parallel_loop3A_147 = arith.constant 11.3137083 : f32
      %parallel_loop3A_148 = vector.broadcast %parallel_loop3A_147 : f32 to vector<16xf32>
      %parallel_loop3A_149 = arith.mulf %parallel_loop3A_146, %parallel_loop3A_148 : vector<16xf32>
      %parallel_loop3A_150 = arith.index_cast %parallel_loop3A_82 : i32 to index
      %parallel_loop3A_151 = arith.constant 80 : index
      %parallel_loop3A_152 = tpu.vector_load %arg6[%parallel_loop3A_150, %parallel_loop3A_151] {strides = array<i32>} : memref<128x128xf32, #tpu.memory_space<vmem>>, vector<1x16xf32>,
      %parallel_loop3A_153 = vector.shape_cast %parallel_loop3A_152 : vector<1x16xf32> to vector<16xf32>
      %parallel_loop3A_154 = vector.shape_cast %parallel_loop3A_149 : vector<16xf32> to vector<1x16xf32>
      tpu.vector_store %arg6[%parallel_loop3A_150, %parallel_loop3A_151], %parallel_loop3A_154 {strides = array<i32>} : memref<128x128xf32, #tpu.memory_space<vmem>>, vector<1x16xf32>,
      %parallel_loop3A_155 = arith.index_cast %parallel_loop3A_82 : i32 to index
      %parallel_loop3A_156 = arith.constant 96 : index
      %parallel_loop3A_157 = tpu.vector_load %arg6[%parallel_loop3A_155, %parallel_loop3A_156] {strides = array<i32>} : memref<128x128xf32, #tpu.memory_space<vmem>>, vector<1x16xf32>,
      %parallel_loop3A_158 = vector.shape_cast %parallel_loop3A_157 : vector<1x16xf32> to vector<16xf32>
      %parallel_loop3A_159 = arith.constant 11.3137083 : f32
      %parallel_loop3A_160 = vector.broadcast %parallel_loop3A_159 : f32 to vector<16xf32>
      %parallel_loop3A_161 = arith.mulf %parallel_loop3A_158, %parallel_loop3A_160 : vector<16xf32>
      %parallel_loop3A_162 = arith.index_cast %parallel_loop3A_82 : i32 to index
      %parallel_loop3A_163 = arith.constant 96 : index
      %parallel_loop3A_164 = tpu.vector_load %arg6[%parallel_loop3A_162, %parallel_loop3A_163] {strides = array<i32>} : memref<128x128xf32, #tpu.memory_space<vmem>>, vector<1x16xf32>,
      %parallel_loop3A_165 = vector.shape_cast %parallel_loop3A_164 : vector<1x16xf32> to vector<16xf32>
      %parallel_loop3A_166 = vector.shape_cast %parallel_loop3A_161 : vector<16xf32> to vector<1x16xf32>
      tpu.vector_store %arg6[%parallel_loop3A_162, %parallel_loop3A_163], %parallel_loop3A_166 {strides = array<i32>} : memref<128x128xf32, #tpu.memory_space<vmem>>, vector<1x16xf32>,
      %parallel_loop3A_167 = arith.index_cast %parallel_loop3A_82 : i32 to index
      %parallel_loop3A_168 = arith.constant 112 : index
      %parallel_loop3A_169 = tpu.vector_load %arg6[%parallel_loop3A_167, %parallel_loop3A_168] {strides = array<i32>} : memref<128x128xf32, #tpu.memory_space<vmem>>, vector<1x16xf32>,
      %parallel_loop3A_170 = vector.shape_cast %parallel_loop3A_169 : vector<1x16xf32> to vector<16xf32>
      %parallel_loop3A_171 = arith.constant 11.3137083 : f32
      %parallel_loop3A_172 = vector.broadcast %parallel_loop3A_171 : f32 to vector<16xf32>
      %parallel_loop3A_173 = arith.mulf %parallel_loop3A_170, %parallel_loop3A_172 : vector<16xf32>
      %parallel_loop3A_174 = arith.index_cast %parallel_loop3A_82 : i32 to index
      %parallel_loop3A_175 = arith.constant 112 : index
      %parallel_loop3A_176 = tpu.vector_load %arg6[%parallel_loop3A_174, %parallel_loop3A_175] {strides = array<i32>} : memref<128x128xf32, #tpu.memory_space<vmem>>, vector<1x16xf32>,
      %parallel_loop3A_177 = vector.shape_cast %parallel_loop3A_176 : vector<1x16xf32> to vector<16xf32>
      %parallel_loop3A_178 = vector.shape_cast %parallel_loop3A_173 : vector<16xf32> to vector<1x16xf32>
      tpu.vector_store %arg6[%parallel_loop3A_174, %parallel_loop3A_175], %parallel_loop3A_178 {strides = array<i32>} : memref<128x128xf32, #tpu.memory_space<vmem>>, vector<1x16xf32>,
    } {sc.loop_unroll_factor = 4 : i64, sc.parallel_access}
    %add3A_36 = arith.constant 6144 : i32
    %add3A_37 = arith.addi %mul3A_2, %add3A_36 : i32
    %dma_start3A_38 = arith.constant 0 : i32
    %dma_start3A_39 = tpu.memref_slice %arg4[%add3A_37, %dma_start3A_38] : memref<204800x128xf32, #tpu.memory_space<hbm>> -> memref<128x128xf32, #tpu.memory_space<hbm>>
    %dma_start3A_40 = arith.constant 0 : i32
    %dma_start3A_41 = tpu.memref_slice %arg4[%add3A_37, %dma_start3A_40] : memref<204800x128xf32, #tpu.memory_space<hbm>> -> memref<128x128xf32, #tpu.memory_space<hbm>>
    tpu.enqueue_dma source(%arg6 : memref<128x128xf32, #tpu.memory_space<vmem>>) target(%dma_start3A_41 : memref<128x128xf32, #tpu.memory_space<hbm>>) target_semaphore(%arg14 : memref<!tpu.dma_semaphore, #tpu.memory_space<semaphore_mem>>)
    %dma_wait3A_42 = arith.constant 49 : i32
    %dma_wait3A_43 = arith.constant 0 : i32
    %dma_wait3A_44 = tpu.memref_slice %arg5[%dma_wait3A_42, %dma_wait3A_43] : memref<50x128xi32, #tpu.memory_space<vmem>> -> memref<1x128xi32, #tpu.memory_space<vmem>>
    %dma_wait3A_45 = tpu.memref_squeeze %dma_wait3A_44 : memref<1x128xi32, #tpu.memory_space<vmem>> -> memref<128xi32, #tpu.memory_space<vmem>>
    %dma_wait3A_46 = arith.constant 0 : i32
    %dma_wait3A_47 = arith.constant 0 : i32
    %dma_wait3A_48 = tpu.memref_slice %arg3[%dma_wait3A_46, %dma_wait3A_47] : memref<100000x128xf32, #tpu.memory_space<hbm>> -> memref<100000x128xf32, #tpu.memory_space<hbm>>
    tpu.wait_indirect_dma semaphore(%arg11 : memref<!tpu.dma_semaphore, #tpu.memory_space<semaphore_mem>>) src(%dma_wait3A_48 : memref<100000x128xf32, #tpu.memory_space<hbm>>) dst(%arg7 : memref<128x128xf32, #tpu.memory_space<vmem>>)
    %parallel_loop3A_49 = arith.constant 0 : i32
    %parallel_loop3A_50 = arith.constant 128 : i32
    %parallel_loop3A_51 = arith.constant 1 : i32
    scf.for %parallel_loop3A_82 = %parallel_loop3A_49 to %parallel_loop3A_50 step %parallel_loop3A_51  : i32 {
      %parallel_loop3A_83 = arith.index_cast %parallel_loop3A_82 : i32 to index
      %parallel_loop3A_84 = arith.constant 0 : index
      %parallel_loop3A_85 = tpu.vector_load %arg7[%parallel_loop3A_83, %parallel_loop3A_84] {strides = array<i32>} : memref<128x128xf32, #tpu.memory_space<vmem>>, vector<1x16xf32>,
      %parallel_loop3A_86 = vector.shape_cast %parallel_loop3A_85 : vector<1x16xf32> to vector<16xf32>
      %parallel_loop3A_87 = arith.constant 11.3137083 : f32
      %parallel_loop3A_88 = vector.broadcast %parallel_loop3A_87 : f32 to vector<16xf32>
      %parallel_loop3A_89 = arith.mulf %parallel_loop3A_86, %parallel_loop3A_88 : vector<16xf32>
      %parallel_loop3A_90 = arith.index_cast %parallel_loop3A_82 : i32 to index
      %parallel_loop3A_91 = arith.constant 0 : index
      %parallel_loop3A_92 = tpu.vector_load %arg7[%parallel_loop3A_90, %parallel_loop3A_91] {strides = array<i32>} : memref<128x128xf32, #tpu.memory_space<vmem>>, vector<1x16xf32>,
      %parallel_loop3A_93 = vector.shape_cast %parallel_loop3A_92 : vector<1x16xf32> to vector<16xf32>
      %parallel_loop3A_94 = vector.shape_cast %parallel_loop3A_89 : vector<16xf32> to vector<1x16xf32>
      tpu.vector_store %arg7[%parallel_loop3A_90, %parallel_loop3A_91], %parallel_loop3A_94 {strides = array<i32>} : memref<128x128xf32, #tpu.memory_space<vmem>>, vector<1x16xf32>,
      %parallel_loop3A_95 = arith.index_cast %parallel_loop3A_82 : i32 to index
      %parallel_loop3A_96 = arith.constant 16 : index
      %parallel_loop3A_97 = tpu.vector_load %arg7[%parallel_loop3A_95, %parallel_loop3A_96] {strides = array<i32>} : memref<128x128xf32, #tpu.memory_space<vmem>>, vector<1x16xf32>,
      %parallel_loop3A_98 = vector.shape_cast %parallel_loop3A_97 : vector<1x16xf32> to vector<16xf32>
      %parallel_loop3A_99 = arith.constant 11.3137083 : f32
      %parallel_loop3A_100 = vector.broadcast %parallel_loop3A_99 : f32 to vector<16xf32>
      %parallel_loop3A_101 = arith.mulf %parallel_loop3A_98, %parallel_loop3A_100 : vector<16xf32>
      %parallel_loop3A_102 = arith.index_cast %parallel_loop3A_82 : i32 to index
      %parallel_loop3A_103 = arith.constant 16 : index
      %parallel_loop3A_104 = tpu.vector_load %arg7[%parallel_loop3A_102, %parallel_loop3A_103] {strides = array<i32>} : memref<128x128xf32, #tpu.memory_space<vmem>>, vector<1x16xf32>,
      %parallel_loop3A_105 = vector.shape_cast %parallel_loop3A_104 : vector<1x16xf32> to vector<16xf32>
      %parallel_loop3A_106 = vector.shape_cast %parallel_loop3A_101 : vector<16xf32> to vector<1x16xf32>
      tpu.vector_store %arg7[%parallel_loop3A_102, %parallel_loop3A_103], %parallel_loop3A_106 {strides = array<i32>} : memref<128x128xf32, #tpu.memory_space<vmem>>, vector<1x16xf32>,
      %parallel_loop3A_107 = arith.index_cast %parallel_loop3A_82 : i32 to index
      %parallel_loop3A_108 = arith.constant 32 : index
      %parallel_loop3A_109 = tpu.vector_load %arg7[%parallel_loop3A_107, %parallel_loop3A_108] {strides = array<i32>} : memref<128x128xf32, #tpu.memory_space<vmem>>, vector<1x16xf32>,
      %parallel_loop3A_110 = vector.shape_cast %parallel_loop3A_109 : vector<1x16xf32> to vector<16xf32>
      %parallel_loop3A_111 = arith.constant 11.3137083 : f32
      %parallel_loop3A_112 = vector.broadcast %parallel_loop3A_111 : f32 to vector<16xf32>
      %parallel_loop3A_113 = arith.mulf %parallel_loop3A_110, %parallel_loop3A_112 : vector<16xf32>
      %parallel_loop3A_114 = arith.index_cast %parallel_loop3A_82 : i32 to index
      %parallel_loop3A_115 = arith.constant 32 : index
      %parallel_loop3A_116 = tpu.vector_load %arg7[%parallel_loop3A_114, %parallel_loop3A_115] {strides = array<i32>} : memref<128x128xf32, #tpu.memory_space<vmem>>, vector<1x16xf32>,
      %parallel_loop3A_117 = vector.shape_cast %parallel_loop3A_116 : vector<1x16xf32> to vector<16xf32>
      %parallel_loop3A_118 = vector.shape_cast %parallel_loop3A_113 : vector<16xf32> to vector<1x16xf32>
      tpu.vector_store %arg7[%parallel_loop3A_114, %parallel_loop3A_115], %parallel_loop3A_118 {strides = array<i32>} : memref<128x128xf32, #tpu.memory_space<vmem>>, vector<1x16xf32>,
      %parallel_loop3A_119 = arith.index_cast %parallel_loop3A_82 : i32 to index
      %parallel_loop3A_120 = arith.constant 48 : index
      %parallel_loop3A_121 = tpu.vector_load %arg7[%parallel_loop3A_119, %parallel_loop3A_120] {strides = array<i32>} : memref<128x128xf32, #tpu.memory_space<vmem>>, vector<1x16xf32>,
      %parallel_loop3A_122 = vector.shape_cast %parallel_loop3A_121 : vector<1x16xf32> to vector<16xf32>
      %parallel_loop3A_123 = arith.constant 11.3137083 : f32
      %parallel_loop3A_124 = vector.broadcast %parallel_loop3A_123 : f32 to vector<16xf32>
      %parallel_loop3A_125 = arith.mulf %parallel_loop3A_122, %parallel_loop3A_124 : vector<16xf32>
      %parallel_loop3A_126 = arith.index_cast %parallel_loop3A_82 : i32 to index
      %parallel_loop3A_127 = arith.constant 48 : index
      %parallel_loop3A_128 = tpu.vector_load %arg7[%parallel_loop3A_126, %parallel_loop3A_127] {strides = array<i32>} : memref<128x128xf32, #tpu.memory_space<vmem>>, vector<1x16xf32>,
      %parallel_loop3A_129 = vector.shape_cast %parallel_loop3A_128 : vector<1x16xf32> to vector<16xf32>
      %parallel_loop3A_130 = vector.shape_cast %parallel_loop3A_125 : vector<16xf32> to vector<1x16xf32>
      tpu.vector_store %arg7[%parallel_loop3A_126, %parallel_loop3A_127], %parallel_loop3A_130 {strides = array<i32>} : memref<128x128xf32, #tpu.memory_space<vmem>>, vector<1x16xf32>,
      %parallel_loop3A_131 = arith.index_cast %parallel_loop3A_82 : i32 to index
      %parallel_loop3A_132 = arith.constant 64 : index
      %parallel_loop3A_133 = tpu.vector_load %arg7[%parallel_loop3A_131, %parallel_loop3A_132] {strides = array<i32>} : memref<128x128xf32, #tpu.memory_space<vmem>>, vector<1x16xf32>,
      %parallel_loop3A_134 = vector.shape_cast %parallel_loop3A_133 : vector<1x16xf32> to vector<16xf32>
      %parallel_loop3A_135 = arith.constant 11.3137083 : f32
      %parallel_loop3A_136 = vector.broadcast %parallel_loop3A_135 : f32 to vector<16xf32>
      %parallel_loop3A_137 = arith.mulf %parallel_loop3A_134, %parallel_loop3A_136 : vector<16xf32>
      %parallel_loop3A_138 = arith.index_cast %parallel_loop3A_82 : i32 to index
      %parallel_loop3A_139 = arith.constant 64 : index
      %parallel_loop3A_140 = tpu.vector_load %arg7[%parallel_loop3A_138, %parallel_loop3A_139] {strides = array<i32>} : memref<128x128xf32, #tpu.memory_space<vmem>>, vector<1x16xf32>,
      %parallel_loop3A_141 = vector.shape_cast %parallel_loop3A_140 : vector<1x16xf32> to vector<16xf32>
      %parallel_loop3A_142 = vector.shape_cast %parallel_loop3A_137 : vector<16xf32> to vector<1x16xf32>
      tpu.vector_store %arg7[%parallel_loop3A_138, %parallel_loop3A_139], %parallel_loop3A_142 {strides = array<i32>} : memref<128x128xf32, #tpu.memory_space<vmem>>, vector<1x16xf32>,
      %parallel_loop3A_143 = arith.index_cast %parallel_loop3A_82 : i32 to index
      %parallel_loop3A_144 = arith.constant 80 : index
      %parallel_loop3A_145 = tpu.vector_load %arg7[%parallel_loop3A_143, %parallel_loop3A_144] {strides = array<i32>} : memref<128x128xf32, #tpu.memory_space<vmem>>, vector<1x16xf32>,
      %parallel_loop3A_146 = vector.shape_cast %parallel_loop3A_145 : vector<1x16xf32> to vector<16xf32>
      %parallel_loop3A_147 = arith.constant 11.3137083 : f32
      %parallel_loop3A_148 = vector.broadcast %parallel_loop3A_147 : f32 to vector<16xf32>
      %parallel_loop3A_149 = arith.mulf %parallel_loop3A_146, %parallel_loop3A_148 : vector<16xf32>
      %parallel_loop3A_150 = arith.index_cast %parallel_loop3A_82 : i32 to index
      %parallel_loop3A_151 = arith.constant 80 : index
      %parallel_loop3A_152 = tpu.vector_load %arg7[%parallel_loop3A_150, %parallel_loop3A_151] {strides = array<i32>} : memref<128x128xf32, #tpu.memory_space<vmem>>, vector<1x16xf32>,
      %parallel_loop3A_153 = vector.shape_cast %parallel_loop3A_152 : vector<1x16xf32> to vector<16xf32>
      %parallel_loop3A_154 = vector.shape_cast %parallel_loop3A_149 : vector<16xf32> to vector<1x16xf32>
      tpu.vector_store %arg7[%parallel_loop3A_150, %parallel_loop3A_151], %parallel_loop3A_154 {strides = array<i32>} : memref<128x128xf32, #tpu.memory_space<vmem>>, vector<1x16xf32>,
      %parallel_loop3A_155 = arith.index_cast %parallel_loop3A_82 : i32 to index
      %parallel_loop3A_156 = arith.constant 96 : index
      %parallel_loop3A_157 = tpu.vector_load %arg7[%parallel_loop3A_155, %parallel_loop3A_156] {strides = array<i32>} : memref<128x128xf32, #tpu.memory_space<vmem>>, vector<1x16xf32>,
      %parallel_loop3A_158 = vector.shape_cast %parallel_loop3A_157 : vector<1x16xf32> to vector<16xf32>
      %parallel_loop3A_159 = arith.constant 11.3137083 : f32
      %parallel_loop3A_160 = vector.broadcast %parallel_loop3A_159 : f32 to vector<16xf32>
      %parallel_loop3A_161 = arith.mulf %parallel_loop3A_158, %parallel_loop3A_160 : vector<16xf32>
      %parallel_loop3A_162 = arith.index_cast %parallel_loop3A_82 : i32 to index
      %parallel_loop3A_163 = arith.constant 96 : index
      %parallel_loop3A_164 = tpu.vector_load %arg7[%parallel_loop3A_162, %parallel_loop3A_163] {strides = array<i32>} : memref<128x128xf32, #tpu.memory_space<vmem>>, vector<1x16xf32>,
      %parallel_loop3A_165 = vector.shape_cast %parallel_loop3A_164 : vector<1x16xf32> to vector<16xf32>
      %parallel_loop3A_166 = vector.shape_cast %parallel_loop3A_161 : vector<16xf32> to vector<1x16xf32>
      tpu.vector_store %arg7[%parallel_loop3A_162, %parallel_loop3A_163], %parallel_loop3A_166 {strides = array<i32>} : memref<128x128xf32, #tpu.memory_space<vmem>>, vector<1x16xf32>,
      %parallel_loop3A_167 = arith.index_cast %parallel_loop3A_82 : i32 to index
      %parallel_loop3A_168 = arith.constant 112 : index
      %parallel_loop3A_169 = tpu.vector_load %arg7[%parallel_loop3A_167, %parallel_loop3A_168] {strides = array<i32>} : memref<128x128xf32, #tpu.memory_space<vmem>>, vector<1x16xf32>,
      %parallel_loop3A_170 = vector.shape_cast %parallel_loop3A_169 : vector<1x16xf32> to vector<16xf32>
      %parallel_loop3A_171 = arith.constant 11.3137083 : f32
      %parallel_loop3A_172 = vector.broadcast %parallel_loop3A_171 : f32 to vector<16xf32>
      %parallel_loop3A_173 = arith.mulf %parallel_loop3A_170, %parallel_loop3A_172 : vector<16xf32>
      %parallel_loop3A_174 = arith.index_cast %parallel_loop3A_82 : i32 to index
      %parallel_loop3A_175 = arith.constant 112 : index
      %parallel_loop3A_176 = tpu.vector_load %arg7[%parallel_loop3A_174, %parallel_loop3A_175] {strides = array<i32>} : memref<128x128xf32, #tpu.memory_space<vmem>>, vector<1x16xf32>,
      %parallel_loop3A_177 = vector.shape_cast %parallel_loop3A_176 : vector<1x16xf32> to vector<16xf32>
      %parallel_loop3A_178 = vector.shape_cast %parallel_loop3A_173 : vector<16xf32> to vector<1x16xf32>
      tpu.vector_store %arg7[%parallel_loop3A_174, %parallel_loop3A_175], %parallel_loop3A_178 {strides = array<i32>} : memref<128x128xf32, #tpu.memory_space<vmem>>, vector<1x16xf32>,
    } {sc.loop_unroll_factor = 4 : i64, sc.parallel_access}
    %add3A_52 = arith.constant 6272 : i32
    %add3A_53 = arith.addi %mul3A_2, %add3A_52 : i32
    %dma_start3A_54 = arith.constant 0 : i32
    %dma_start3A_55 = tpu.memref_slice %arg4[%add3A_53, %dma_start3A_54] : memref<204800x128xf32, #tpu.memory_space<hbm>> -> memref<128x128xf32, #tpu.memory_space<hbm>>
    %dma_start3A_56 = arith.constant 0 : i32
    %dma_start3A_57 = tpu.memref_slice %arg4[%add3A_53, %dma_start3A_56] : memref<204800x128xf32, #tpu.memory_space<hbm>> -> memref<128x128xf32, #tpu.memory_space<hbm>>
    tpu.enqueue_dma source(%arg7 : memref<128x128xf32, #tpu.memory_space<vmem>>) target(%dma_start3A_57 : memref<128x128xf32, #tpu.memory_space<hbm>>) target_semaphore(%arg15 : memref<!tpu.dma_semaphore, #tpu.memory_space<semaphore_mem>>)
    %add3A_58 = arith.constant 5888 : i32
    %add3A_59 = arith.addi %mul3A_2, %add3A_58 : i32
    %dma_wait3A_60 = arith.constant 0 : i32
    %dma_wait3A_61 = tpu.memref_slice %arg4[%add3A_59, %dma_wait3A_60] : memref<204800x128xf32, #tpu.memory_space<hbm>> -> memref<128x128xf32, #tpu.memory_space<hbm>>
    %dma_wait3A_62 = arith.constant 0 : i32
    %dma_wait3A_63 = tpu.memref_slice %arg4[%add3A_59, %dma_wait3A_62] : memref<204800x128xf32, #tpu.memory_space<hbm>> -> memref<128x128xf32, #tpu.memory_space<hbm>>
    tpu.wait_dma2 semaphore(%arg16 : memref<!tpu.dma_semaphore, #tpu.memory_space<semaphore_mem>>) src(%arg8 : memref<128x128xf32, #tpu.memory_space<vmem>>) dst(%dma_wait3A_63 : memref<128x128xf32, #tpu.memory_space<hbm>>)
    %add3A_64 = arith.constant 6016 : i32
    %add3A_65 = arith.addi %mul3A_2, %add3A_64 : i32
    %dma_wait3A_66 = arith.constant 0 : i32
    %dma_wait3A_67 = tpu.memref_slice %arg4[%add3A_65, %dma_wait3A_66] : memref<204800x128xf32, #tpu.memory_space<hbm>> -> memref<128x128xf32, #tpu.memory_space<hbm>>
    %dma_wait3A_68 = arith.constant 0 : i32
    %dma_wait3A_69 = tpu.memref_slice %arg4[%add3A_65, %dma_wait3A_68] : memref<204800x128xf32, #tpu.memory_space<hbm>> -> memref<128x128xf32, #tpu.memory_space<hbm>>
    tpu.wait_dma2 semaphore(%arg17 : memref<!tpu.dma_semaphore, #tpu.memory_space<semaphore_mem>>) src(%arg9 : memref<128x128xf32, #tpu.memory_space<vmem>>) dst(%dma_wait3A_69 : memref<128x128xf32, #tpu.memory_space<hbm>>)
    %add3A_70 = arith.constant 6144 : i32
    %add3A_71 = arith.addi %mul3A_2, %add3A_70 : i32
    %dma_wait3A_72 = arith.constant 0 : i32
    %dma_wait3A_73 = tpu.memref_slice %arg4[%add3A_71, %dma_wait3A_72] : memref<204800x128xf32, #tpu.memory_space<hbm>> -> memref<128x128xf32, #tpu.memory_space<hbm>>
    %dma_wait3A_74 = arith.constant 0 : i32
    %dma_wait3A_75 = tpu.memref_slice %arg4[%add3A_71, %dma_wait3A_74] : memref<204800x128xf32, #tpu.memory_space<hbm>> -> memref<128x128xf32, #tpu.memory_space<hbm>>
    tpu.wait_dma2 semaphore(%arg14 : memref<!tpu.dma_semaphore, #tpu.memory_space<semaphore_mem>>) src(%arg6 : memref<128x128xf32, #tpu.memory_space<vmem>>) dst(%dma_wait3A_75 : memref<128x128xf32, #tpu.memory_space<hbm>>)
    %add3A_76 = arith.constant 6272 : i32
    %add3A_77 = arith.addi %mul3A_2, %add3A_76 : i32
    %dma_wait3A_78 = arith.constant 0 : i32
    %dma_wait3A_79 = tpu.memref_slice %arg4[%add3A_77, %dma_wait3A_78] : memref<204800x128xf32, #tpu.memory_space<hbm>> -> memref<128x128xf32, #tpu.memory_space<hbm>>
    %dma_wait3A_80 = arith.constant 0 : i32
    %dma_wait3A_81 = tpu.memref_slice %arg4[%add3A_77, %dma_wait3A_80] : memref<204800x128xf32, #tpu.memory_space<hbm>> -> memref<128x128xf32, #tpu.memory_space<hbm>>
    tpu.wait_dma2 semaphore(%arg15 : memref<!tpu.dma_semaphore, #tpu.memory_space<semaphore_mem>>) src(%arg7 : memref<128x128xf32, #tpu.memory_space<vmem>>) dst(%dma_wait3A_81 : memref<128x128xf32, #tpu.memory_space<hbm>>)
    return
  }
}

</mosaic_0001>

<sc_bundles>
// kernel: _embed.3.cloned.1.call-start
scs
__scs_entry_jumppad:
0x0: {  	(pc) =	sbr.rel $0x88, $3  }
0x1: {  	(tag) =	ssettag $0x0;
	lr =	simm.s32 $0x1  }
0x2: {  	[smem:$0x3F9F] =	sst lr;
	_ =	strace $0xD0000000  }
0x3: {  	_ = 	snop  }
0x4: {  	_ = 	snop  }
0x5: {  	_ = 	snop  }
0x6: {  	_ = 	snop  }
0x7: {  	_ = 	snop  }
__scs_overlays_trampoline_lowered:
0x8: {  	[smem:$0x3FAE] =	sst s0  }
0x9: {  	[smem:$0x3FAF] =	sst s1  }
0xa: {  	[smem:$0x3FB0] =	sst s2  }
0xb: {  	[smem:$0x3FB1] =	sst s3  }
0xc: {  	[smem:$0x3FB2] =	sst s4  }
0xd: {  	[smem:$0x3FB3] =	sst s5  }
0xe: {  	[smem:$0x3FB4] =	sst s6  }
0xf: {  	[smem:$0x3FB5] =	sst s7  }
0x10: {  	[smem:$0x3FB6] =	sst s8  }
0x11: {  	[smem:$0x3FB7] =	sst s9;
	s0 =	simm.s32 @!p0 $0x0  }
0x12: {  	s1 =	sld [smem:$0x3F9D];
	s0 =	simm.s32 @p0 $0x1  }
0x13: {  	[smem:$0x3FB8] =	sst s0;
	s0 =	simm.s32 @!p1 $0x0  }
0x14: {  	s2 =	sld [smem:$0x3F9C];
	s0 =	simm.s32 @p1 $0x1  }
0x15: {  	[smem:$0x3FB9] =	sst s0;
	s0 =	simm.s32 @!p2 $0x0  }
0x16: {  	s3 =	sld [smem:$0x3FDB];
	s0 =	simm.s32 @p2 $0x1  }
0x17: {  	s4 =	simm.s32 $0x1BF5;
	[smem:$0x3FBB] =	sst s0  }
0x18: {  	s0 =	sld [smem:$0x3F9E];
	_ =	swait.ge [sflag:s4], $0x0  }
0x19: {  	s7 =	sld [smem:$0x3F9F]  }
0x1a: {  	s8 =	sadd.s32 $0xFFFFE003, lr  }
0x1b: {  	s9 =	sadd.s32 $0xFFFFFEF7, lr;
	s5 =	simm.s32 $0xFFFFFFFF;
	p2 =	slt.u32 s8, $0xFFFFF086  }
0x1c: {  	p1 =	slt.u32 s9, $0xF7A;
	s5 =	simm.s32 @!p2 $0x0  }
0x1d: {  	s5 =	simm.s32 @p1 $0x1;
	p0 =	seq.s32 s7, s2  }
0x1e: {  	s7 =	smul.u32 @!p0 $0xF7A, s2;
	p2 =	seq.s32 @!p0 s5, $0x0  }
0x1f: {  	s9 =	smul.u32 $0xF7A, s1;
	s8 =	simm.s32 @!p0 $0x1BF5;
	p2 =	por !p2, p0  }
0x20: {  	[sflag:s8] =	ssyncset.s32 @!p0 $0xFFFFF086;
	s6 =	sadd.s32 @!p0 s3, s7;
	s7 =	simm.s32 @!p0 $0x108  }
0x21: {  	s3 =	sadd.s32 s3, s9;
	s6 =	sadd.s32 @!p0 $0x88, s6;
	s7 =	simm.s32 @p2 $0x1082  }
0x22: {  	[simem:s7], [sflag:s8] =	dma.local @!p0 [hbm:s6], $0xF7A  }
0x23: {  	s9 =	sor.u32 $0xD0000000, s2;
	s6 =	simm.s32 $0x108;
	_ =	swait.ge @!p0 [sflag:s8], $0x0  }
0x24: {  	s3 =	sadd.s32 $0x88, s3;
	s6 =	simm.s32 @!p1 $0x1082;
	[sflag:s4] =	ssyncset.s32 $0xFFFFF086  }
0x25: {  	[simem:s6], [sflag:s4] =	dma.local [hbm:s3], $0xF7A  }
0x26: {  	[smem:$0x3F9F] =	sst s1;
	(tag) =	ssettag s2;
	_ =	strace s9  }
0x27: {  	s1 =	sld [smem:$0x3FAF]  }
0x28: {  	s2 =	sld [smem:$0x3FB0]  }
0x29: {  	s4 =	sld [smem:$0x3FB2]  }
0x2a: {  	p0 =	seq.s32 s5, $0x0;
	s5 =	sld [smem:$0x3FB3]  }
0x2b: {  	s6 =	sld [smem:$0x3FB4]  }
0x2c: {  	s7 =	sld [smem:$0x3FB5]  }
0x2d: {  	s3 =	simm.s32 $0x108;
	s8 =	sld [smem:$0x3FB6]  }
0x2e: {  	s3 =	simm.s32 @!p0 $0x1082;
	s9 =	sld [smem:$0x3FB7]  }
0x2f: {  	lr =	sadd.s32 s0, s3;
	s0 =	sld [smem:$0x3FAE]  }
0x30: {  	s3 =	sld [smem:$0x3FB1]  }
0x31: {  	[smem:$0x3FBA] =	sst s10  }
0x32: {  	s10 =	sld [smem:$0x3FB8];
	_ =	sdelay $0x3  }
0x33: {  	p0 =	seq.s32 s10, $0x1;
	s10 =	sld [smem:$0x3FBA];
	_ =	sdelay $0x3  }
0x34: {  	[smem:$0x3FBA] =	sst s10  }
0x35: {  	s10 =	sld [smem:$0x3FB9];
	_ =	sdelay $0x3  }
0x36: {  	p1 =	seq.s32 s10, $0x1;
	s10 =	sld [smem:$0x3FBA];
	_ =	sdelay $0x3  }
0x37: {  	[smem:$0x3FBA] =	sst s10  }
0x38: {  	s10 =	sld [smem:$0x3FBB]  }
0x39: {  	_ = 	snop;
	(pc) =	sbr.ind lr, $3  }
0x3a: {  	_ = 	snop  }
0x3b: {  	_ = 	snop  }
0x3c: {  	p2 =	seq.s32 s10, $0x1;
	s10 =	sld [smem:$0x3FBA]  }
0x3d: {  	_ =	shalt  }
0x3e: {  	_ =	shalt  }
0x3f: {  	_ =	shalt  }
0x40: {  	_ =	shalt  }
0x41: {  	_ =	shalt  }
0x42: {  	_ =	shalt  }
0x43: {  	_ =	shalt  }
0x44: {  	_ =	shalt  }
0x45: {  	_ =	shalt  }
0x46: {  	_ =	shalt  }
0x47: {  	_ =	shalt  }
0x48: {  	_ =	shalt  }
0x49: {  	_ =	shalt  }
0x4a: {  	_ =	shalt  }
0x4b: {  	_ =	shalt  }
0x4c: {  	_ =	shalt  }
0x4d: {  	_ =	shalt  }
0x4e: {  	_ =	shalt  }
0x4f: {  	_ =	shalt  }
0x50: {  	_ =	shalt  }
0x51: {  	_ =	shalt  }
0x52: {  	_ =	shalt  }
0x53: {  	_ =	shalt  }
0x54: {  	_ =	shalt  }
0x55: {  	_ =	shalt  }
0x56: {  	_ =	shalt  }
0x57: {  	_ =	shalt  }
0x58: {  	_ =	shalt  }
0x59: {  	_ =	shalt  }
0x5a: {  	_ =	shalt  }
0x5b: {  	_ =	shalt  }
0x5c: {  	_ =	shalt  }
0x5d: {  	_ =	shalt  }
0x5e: {  	_ =	shalt  }
0x5f: {  	_ =	shalt  }
0x60: {  	_ =	shalt  }
0x61: {  	_ =	shalt  }
0x62: {  	_ =	shalt  }
0x63: {  	_ =	shalt  }
0x64: {  	_ =	shalt  }
0x65: {  	_ =	shalt  }
0x66: {  	_ =	shalt  }
0x67: {  	_ =	shalt  }
0x68: {  	_ =	shalt  }
0x69: {  	_ =	shalt  }
0x6a: {  	_ =	shalt  }
0x6b: {  	_ =	shalt  }
0x6c: {  	_ =	shalt  }
0x6d: {  	_ =	shalt  }
0x6e: {  	_ =	shalt  }
0x6f: {  	_ =	shalt  }
0x70: {  	_ =	shalt  }
0x71: {  	_ =	shalt  }
0x72: {  	_ =	shalt  }
0x73: {  	_ =	shalt  }
0x74: {  	_ =	shalt  }
0x75: {  	_ =	shalt  }
0x76: {  	_ =	shalt  }
0x77: {  	_ =	shalt  }
0x78: {  	_ =	shalt  }
0x79: {  	_ =	shalt  }
0x7a: {  	_ =	shalt  }
0x7b: {  	_ =	shalt  }
0x7c: {  	_ =	shalt  }
0x7d: {  	_ =	shalt  }
0x7e: {  	_ =	shalt  }
0x7f: {  	_ =	shalt  }
0x80: {  	_ =	shalt  }
0x81: {  	_ =	shalt  }
0x82: {  	_ =	shalt  }
0x83: {  	_ =	shalt  }
0x84: {  	_ =	shalt  }
0x85: {  	_ =	shalt  }
0x86: {  	_ =	shalt  }
0x87: {  	_ =	shalt  }
.Lfunc_end0:
.L_simem_size_0:
called_computation_lowered:
.L_overlay_start_0:
0x88: {  	s2 =	sld [smem:$0x3FD9]  }
0x89: {  	s3 =	sld [smem:$0x3FFE];
	_ =	sdelay $0x1  }
0x8a: {  	s1 =	srdreg.scid  }
0x8b: {  	s0 =	sand.u32 $0x1, s1  }
0x8c: {  	s17 =	sshll.u32 s0, $0xA;
	s2 =	sadd.s32 s3, s2  }
0x8d: {  	s2 =	sadd.s32 s2, s17  }
0x8e: {  	[smem:$0x3FC6] =	sst s2  }
0x8f: {  	_ = 	snop  }
0x90: {  	s2 =	sld [smem:$0x3FC8]  }
0x91: {  	s18 =	sld [smem:$0x3FD0];
	(tm) =	ssettm $0x1  }
0x92: {  	s4 =	sld [smem:$0x3FFB];
	_ =	sdelay $0x3  }
0x93: {  	_ =	strace s4  }
0x94: {  	s4 =	sld [smem:$0x3FFC];
	_ =	sdelay $0x3  }
0x95: {  	_ =	strace s4  }
0x96: {  	s4 =	sld [smem:$0x3FFD];
	_ =	sdelay $0x3  }
0x97: {  	_ =	strace s4  }
0x98: {  	_ =	strace $0x8FFFFFFF  }
0x99: {  	s19 =	sld [smem:$0x3FDB];
	_ =	sdelay $0x1  }
0x9a: {  	s5 =	simm.s32 $_scs_section_size  }
0x9b: {  	s6 =	simm.s32 $_size__tile_overlayer_lowered;
	s7 =	simm.s32 $_tile_overlayer_lowered  }
0x9c: {  	s22 =	simm.s32 $0x1BFF;
	s21 =	sshll.u32 s7, $0x1;
	s4 =	sadd.s32 s5, s19  }
0x9d: {  	s8 =	simm.s32 $0x0;
	s20 =	sshll.u32 s6, $0x1;
	s6 =	sadd.s32 s21, s4  }
0x9e: {  	[timem:s8], [sflag:s22] =	dma.local [hbm:s6], s20  }
0x9f: {  	_ =	swait.ge [sflag:s22], s20  }
0xa0: {  	s5 =	ssub.s32 $0x0, s20;
	[sflag:s22] =	ssyncset.done $0x0  }
0xa1: {  	[sflag:s22] =	ssyncadd.s32 s5;
	_ =	sdelay $0x1  }
0xa2: {  	s23 =	simm.s32 $0x1B8B  }
0xa3: {  	_ =	swait.ge [sflag:s23], $0x1  }
0xa4: {  	[sflag:s23] =	ssyncset.done $0x0  }
0xa5: {  	s25 =	simm.s32 $0x1B8E;
	s24 =	sld [smem:$0x3FFE];
	[sflag:s23] =	ssyncadd.s32 $0xFFFFFFFF  }
0xa6: {  	s26 =	simm.s32 $execute0_lowered;
	[smem:$0x3FD2] =	sst s25  }
0xa7: {  	s6 =	sshll.u32 s26, $0x1;
	_ =	strace $0x80000046;
	[dreg:$0x1] =	wrdreg $0xFFFFFFFF  }
0xa8: {  	s28 =	simm.s32 $_size_execute0_lowered;
	s4 =	sadd.s32 s4, s6;
	[dreg:$0x0] =	wrdreg $0x0  }
0xa9: {  	s6 =	sshll.u32 s28, $0x1;
	[dreg:$0x2] =	wrdreg s4  }
0xaa: {  	[dreg:$0x3] =	wrdreg s6  }
0xab: {  	[dreg:$0x4] =	wrdreg $0xC0  }
0xac: {  	_ =	task [dreg:s8], $0x5FFFF  }
0xad: {  	[dreg:$0x1] =	wrdreg $0xFFFFFFFF  }
0xae: {  	[dreg:$0x0] =	wrdreg $0x60  }
0xaf: {  	[dreg:$0x2] =	wrdreg s24  }
0xb0: {  	[dreg:$0x3] =	wrdreg s2  }
0xb1: {  	[dreg:$0x4] =	wrdreg s18  }
0xb2: {  	[dreg:$0x5] =	wrdreg $0x9  }
0xb3: {  	_ =	task.clear_ibuf [dreg:s8], $0x6FFFF;
	_ =	strace $0x90000046  }
0xb4: {  	s29 =	simm.s32 $0x9;
	_ =	strace $0x80000048  }
0xb5: {  	_ =	swait.ge [sflag:s29], $0x1  }
0xb6: {  	[sflag:s29] =	ssyncadd.s32 $0xFFFFFFFF  }
0xb7: {  	_ =	strace $0x90000048  }
0xb8: {  	_ =	sfence  }
0xb9: {  	s30 =	sld [smem:$0x0];
	_ =	sdelay $0x2  }
0xba: {  	s31 =	sshll.u32 s1, $0xD;
	s1 =	sshrl.u32 s1, $0x2  }
0xbb: {  	s3 =	sand.u32 $0x4000, s31;
	s1 =	sadd.s32 s1, s30  }
0xbc: {  	s0 =	sor.u32 s3, s0;
	s1 =	sshll.u32 s1, $0x11  }
0xbd: {  	s0 =	sor.u32 s1, s0  }
0xbe: {  	s0 =	sadd.s32 $0x8F2B, s0  }
0xbf: {  	[sflag:s0] =	ssyncadd.remote.s32 $0x1  }
0xc0: {  	_ =	sfence.sel $0xFFFF  }
0xc1: {  	[dreg:$0x0] =	wrdreg $0xFFFFFFFF;
	(pc) =	sbr.abs _section_cstart, $3  }
0xc2: {  	[dreg:$0x1] =	wrdreg $0xFFFFFFFF  }
0xc3: {  	_ =	task.clear_ibuf [dreg:s8], $0x2FFFF;
	_ =	strace $0x9FFFFFFF  }
0xc4: {  	(tm) =	ssettm $0x7FFFFFFF  }
0xc5: {  	_ =	shalt  }
tec
execute0_lowered:
.L_overlay_start_1:
0x0: {  	(tag) =	ssettag $0x1  }
0x1: {  	s0 =	rddreg [dreg:$0x0]  }
0x2: {  	s1 =	srdreg.scid;
	s3 =	stileid.u32  }
0x3: {  	s2 =	rddreg [dreg:$0x1];
	s12 =	simm.s32 $0x9;
	s13 =	simm.s32 $0x80  }
0x4: {  	s14 =	simm.s32 $0x1C00;
	s15 =	simm.s32 $0x5C00;
	s17 =	simm.s32 $0x9C00  }
0x5: {  	s18 =	simm.s32 $0xDC00;
	s19 =	simm.s32 $0x1;
	s20 =	simm.s32 $0x5  }
0x6: {  	s21 =	simm.s32 $0x2;
	s22 =	simm.s32 $0x6;
	s23 =	simm.s32 $0x3  }
0x7: {  	s24 =	simm.s32 $0x4;
	s1 =	sand.u32 $0x1, s1;
	s4 =	sshll.u32 s3, $0x1  }
0x8: {  	s25 =	simm.s32 $0x7;
	s26 =	simm.s32 $0x8;
	s6 =	sor.u32 s1, s4  }
0x9: {  	s28 =	simm.s32 $0x0;
	s3 =	rddreg [dreg:$0x2];
	s7 =	smul.u32 $0x380, s6  }
0xa: {  	s4 =	simm.s32 $0x0;
	s1 =	ssub.s32 $0x2, s1;
	s5 =	smul.u32 $0xC8000, s6  }
0xb: {  	[smem:$0x7FF] =	sst s4;
	s30 =	sshrl.u32 s1, $0x1;
	s6 =	smul.u32 $0x1900, s6  }
0xc: {  	_ =	strace $0x80000047;
	s1 =	ssub.s32 s1, s30;
	s0 =	sadd.s32 s7, s0  }
0xd: {  	s8 =	sshrl.u32 s5, $0x3;
	s7 =	sor.u32 $0x80, s6;
	s11 =	smax.u32 s1, $0x1  }
0xe: {  	s0 =	sadd.s32 $0x400, s0;
	s31 =	sadd.s32 s3, s8;
	s8 =	sadd.s32 $0x100, s6  }
0xf: {  	[dreg:$0x4] =	wrdreg s0;
	s9 =	sadd.s32 $0x18000, s31;
	s10 =	sadd.s32 $0x18800, s31  }
.LBB2_1:
0x10: {  	s0 =	rddreg [dreg:$0x4]  }
0x11: {  	[tilespmem:s4], [sflag:$0x9] =	stream.linear.gather [hbm4b:s0+s4], $0x1900, $0x38;
	[tilespmem:$0x11C00] =	vst v63  }
0x12: {  	_ =	swait.ge [sflag:s12], $0x1900  }
0x13: {  	[sflag:s12] =	ssyncset.done $0x0  }
0x14: {  	[sflag:s12] =	ssyncadd.s32 $0xFFFFE700  }
0x15: {  	[tilespmem:s14], [sflag:$0x1] =	stream.indirect.gather [hbm4b:s2+s13], $0x80, s4, s13, $0xb8;
	[tilespmem:$0x11C00] =	vst v63  }
0x16: {  	_ = 	snop  }
0x17: {  	[tilespmem:s15], [sflag:$0x2] =	stream.indirect.gather [hbm4b:s2+s13], $0x80, s13, s13, $0xb8;
	[tilespmem:$0x11C00] =	vst v63  }
0x18: {  	s31 =	simm.s32 $0x100;
	s29 =	simm.s32 $0x0  }
0x19: {  	[tilespmem:s17], [sflag:$0x3] =	stream.indirect.gather [hbm4b:s2+s13], $0x80, s31, s13, $0xb8;
	[tilespmem:$0x11C00] =	vst v63  }
.LBB2_2:
0x1a: {  	p0 =	seq.s32 s29, $0x0  }
0x1b: {  	s0 =	simm.s32 @!p0 $0x8  }
0x1c: {  	s30 =	sshllo.u32 s29, $0x2;
	_ =	swait.ge @!p0 [sflag:s0], $0x4000  }
0x1d: {  	s1 =	sshll.u32 s30, $0x7;
	[sflag:s0] =	ssyncset.done @!p0 $0x0  }
0x1e: {  	s31 =	sand.u32 $0x3FFFFF80, s1;
	[sflag:s0] =	ssyncadd.s32 @!p0 $0xFFFFC000  }
0x1f: {  	[tilespmem:s18], [sflag:$0x4] =	stream.indirect.gather [hbm4b:s2+s13], $0x80, s31, s13, $0xb8;
	[tilespmem:$0x11C00] =	vst v63  }
0x20: {  	_ =	swait.ge [sflag:s19], $0x4000  }
0x21: {  	[sflag:s19] =	ssyncset.done $0x0  }
0x22: {  	s1 =	simm.s32 $0x1D00;
	[sflag:s19] =	ssyncadd.s32 $0xFFFFC000  }
0x23: {  	v0 =	vld [tilespmem:s1+$0xF0]  }
0x24: {  	v1 =	vld [tilespmem:s1+$0xFFFFFF10]  }
0x25: {  	v2 =	vld [tilespmem:s1+$0xFFFFFF20]  }
0x26: {  	v3 =	vld [tilespmem:s1+$0xFFFFFF30]  }
0x27: {  	v6 =	vld [tilespmem:s1+$0xFFFFFF60]  }
0x28: {  	v4 =	vld [tilespmem:s1+$0xFFFFFF40]  }
0x29: {  	v5 =	vld [tilespmem:s1+$0xFFFFFF50];
	v0 =	vmul.f32 $1.131370830e+01, v0  }
0x2a: {  	v8 =	vld [tilespmem:s1+$0xFFFFFF80];
	v1 =	vmul.f32 $1.131370830e+01, v1  }
0x2b: {  	v7 =	vld [tilespmem:s1+$0xFFFFFF70];
	v2 =	vmul.f32 $1.131370830e+01, v2;
	[tilespmem:s1+$0xF0] =	vst v0  }
0x2c: {  	v6 =	vmul.f32 $1.131370830e+01, v6;
	v0 =	vld [tilespmem:s1+$0xFFFFFF90];
	[tilespmem:s1+$0xFFFFFF10] =	vst v1  }
0x2d: {  	v1 =	vmul.f32 $1.131370830e+01, v3;
	v3 =	vld [tilespmem:s1+$0xFFFFFFA0];
	[tilespmem:s1+$0xFFFFFF20] =	vst v2;
	v2 =	vmul.f32 $1.131370830e+01, v4  }
0x2e: {  	[tilespmem:s1+$0xFFFFFF60] =	vst v6;
	v6 =	vld [tilespmem:s1+$0xFFFFFFF0]  }
0x2f: {  	v4 =	vld [tilespmem:s1+$0xFFFFFFB0];
	[tilespmem:s1+$0xFFFFFF40] =	vst v2;
	v2 =	vmul.f32 $1.131370830e+01, v8  }
0x30: {  	[tilespmem:s1+$0xFFFFFF30] =	vst v1;
	v1 =	vmul.f32 $1.131370830e+01, v5;
	v5 =	vld [tilespmem:s1+$0xFFFFFFC0]  }
0x31: {  	v8 =	vld [tilespmem:s1+$0xFFFFFFD0];
	[tilespmem:s1+$0xFFFFFF80] =	vst v2;
	v2 =	vmul.f32 $1.131370830e+01, v7  }
0x32: {  	[tilespmem:s1+$0xFFFFFF50] =	vst v1;
	v1 =	vld [tilespmem:s1+$0xFFFFFFE0];
	v0 =	vmul.f32 $1.131370830e+01, v0  }
0x33: {  	v7 =	vld [tilespmem:s1+$0x30];
	v6 =	vmul.f32 $1.131370830e+01, v6;
	[tilespmem:s1+$0xFFFFFF70] =	vst v2  }
0x34: {  	v2 =	vmul.f32 $1.131370830e+01, v3;
	v3 =	vld [tilespmem:s1+$0x0];
	[tilespmem:s1+$0xFFFFFF90] =	vst v0  }
0x35: {  	v0 =	vmul.f32 $1.131370830e+01, v4;
	v4 =	vld [tilespmem:s1+$0x10];
	[tilespmem:s1+$0xFFFFFFF0] =	vst v6  }
0x36: {  	[tilespmem:s1+$0xFFFFFFA0] =	vst v2;
	v2 =	vmul.f32 $1.131370830e+01, v5;
	v5 =	vld [tilespmem:s1+$0x20]  }
0x37: {  	v6 =	vld [tilespmem:s1+$0x80];
	[tilespmem:s1+$0xFFFFFFB0] =	vst v0;
	v0 =	vmul.f32 $1.131370830e+01, v8  }
0x38: {  	v1 =	vmul.f32 $1.131370830e+01, v1;
	[tilespmem:s1+$0xFFFFFFC0] =	vst v2;
	v2 =	vld [tilespmem:s1+$0x40]  }
0x39: {  	[tilespmem:s1+$0xFFFFFFD0] =	vst v0;
	v0 =	vmul.f32 $1.131370830e+01, v3  }
0x3a: {  	v3 =	vld [tilespmem:s1+$0x50];
	[tilespmem:s1+$0xFFFFFFE0] =	vst v1;
	v4 =	vmul.f32 $1.131370830e+01, v4  }
0x3b: {  	v1 =	vld [tilespmem:s1+$0x60];
	[tilespmem:s1+$0x0] =	vst v0;
	v0 =	vmul.f32 $1.131370830e+01, v5  }
0x3c: {  	v6 =	vmul.f32 $1.131370830e+01, v6;
	v5 =	vld [tilespmem:s1+$0x70];
	[tilespmem:s1+$0x10] =	vst v4  }
0x3d: {  	v4 =	vmul.f32 $1.131370830e+01, v7;
	v7 =	vld [tilespmem:s1+$0x90];
	[tilespmem:s1+$0x20] =	vst v0;
	v0 =	vmul.f32 $1.131370830e+01, v2  }
0x3e: {  	v8 =	vld [tilespmem:s1+$0xA0];
	[tilespmem:s1+$0x80] =	vst v6  }
0x3f: {  	v2 =	vmul.f32 $1.131370830e+01, v3;
	[tilespmem:s1+$0x40] =	vst v0;
	v0 =	vld [tilespmem:s1+$0xB0]  }
0x40: {  	[tilespmem:s1+$0x30] =	vst v4;
	v3 =	vmul.f32 $1.131370830e+01, v1;
	v1 =	vld [tilespmem:s1+$0xC0]  }
0x41: {  	[tilespmem:s1+$0x50] =	vst v2;
	v4 =	vmul.f32 $1.131370830e+01, v5;
	v2 =	vld [tilespmem:s1+$0xD0]  }
0x42: {  	[tilespmem:s1+$0x60] =	vst v3;
	v3 =	vld [tilespmem:s1+$0xE0];
	v5 =	vmul.f32 $1.131370830e+01, v7  }
0x43: {  	s16 =	simm.s32 $0x1F00;
	s0 =	simm.s32 $0x0;
	v6 =	vmul.f32 $1.131370830e+01, v8;
	[tilespmem:s1+$0x70] =	vst v4;
	v4 =	vld [tilespmem:s1+$0xFFFFFF00]  }
.LBB2_3:
0x44: {  	v7 =	vld [tilespmem:s16+$0xF0];
	s0 =	sadd.s32 $0x4, s0;
	[tilespmem:s1+$0x90] =	vst v5;
	v0 =	vmul.f32 $1.131370830e+01, v0  }
0x45: {  	v5 =	vld [tilespmem:s16+$0xFFFFFF10];
	p0 =	slt.u32 s0, $0x7C;
	[tilespmem:s1+$0xA0] =	vst v6;
	v1 =	vmul.f32 $1.131370830e+01, v1  }
0x46: {  	v6 =	vld [tilespmem:s16+$0xFFFFFF20];
	[tilespmem:s1+$0xB0] =	vst v0;
	v0 =	vmul.f32 $1.131370830e+01, v2  }
0x47: {  	v2 =	vld [tilespmem:s16+$0xFFFFFF30];
	[tilespmem:s1+$0xC0] =	vst v1;
	v1 =	vmul.f32 $1.131370830e+01, v3  }
0x48: {  	v3 =	vld [tilespmem:s16+$0xFFFFFF40];
	v4 =	vmul.f32 $1.131370830e+01, v4;
	[tilespmem:s1+$0xD0] =	vst v0  }
0x49: {  	v0 =	vld [tilespmem:s16+$0xFFFFFF50];
	v7 =	vmul.f32 $1.131370830e+01, v7;
	[tilespmem:s1+$0xE0] =	vst v1  }
0x4a: {  	v1 =	vmul.f32 $1.131370830e+01, v5;
	v5 =	vld [tilespmem:s16+$0xFFFFFF60];
	[tilespmem:s1+$0xFFFFFF00] =	vst v4;
	s1 =	smov.u32 s16  }
0x4b: {  	v4 =	vmul.f32 $1.131370830e+01, v6;
	v6 =	vld [tilespmem:s16+$0xFFFFFF70];
	[tilespmem:s16+$0xF0] =	vst v7  }
0x4c: {  	[tilespmem:s16+$0xFFFFFF10] =	vst v1;
	v1 =	vmul.f32 $1.131370830e+01, v2;
	v2 =	vld [tilespmem:s16+$0xFFFFFF80]  }
0x4d: {  	[tilespmem:s16+$0xFFFFFF20] =	vst v4;
	v3 =	vmul.f32 $1.131370830e+01, v3;
	v4 =	vld [tilespmem:s16+$0xFFFFFF90]  }
0x4e: {  	[tilespmem:s16+$0xFFFFFF30] =	vst v1;
	v0 =	vmul.f32 $1.131370830e+01, v0;
	v1 =	vld [tilespmem:s16+$0xFFFFFFA0]  }
0x4f: {  	[tilespmem:s16+$0xFFFFFF40] =	vst v3;
	v3 =	vmul.f32 $1.131370830e+01, v5;
	v5 =	vld [tilespmem:s16+$0xFFFFFFB0]  }
0x50: {  	[tilespmem:s16+$0xFFFFFF50] =	vst v0;
	v0 =	vmul.f32 $1.131370830e+01, v6;
	v6 =	vld [tilespmem:s16+$0xFFFFFFC0]  }
0x51: {  	[tilespmem:s16+$0xFFFFFF60] =	vst v3;
	v2 =	vmul.f32 $1.131370830e+01, v2;
	v3 =	vld [tilespmem:s16+$0xFFFFFFD0]  }
0x52: {  	[tilespmem:s16+$0xFFFFFF70] =	vst v0;
	v0 =	vmul.f32 $1.131370830e+01, v4;
	v4 =	vld [tilespmem:s16+$0xFFFFFFE0]  }
0x53: {  	[tilespmem:s16+$0xFFFFFF80] =	vst v2;
	v1 =	vmul.f32 $1.131370830e+01, v1;
	v2 =	vld [tilespmem:s16+$0xFFFFFFF0]  }
0x54: {  	[tilespmem:s16+$0xFFFFFF90] =	vst v0;
	v0 =	vmul.f32 $1.131370830e+01, v5;
	v5 =	vld [tilespmem:s16+$0x0]  }
0x55: {  	[tilespmem:s16+$0xFFFFFFA0] =	vst v1;
	v1 =	vmul.f32 $1.131370830e+01, v6;
	v6 =	vld [tilespmem:s16+$0x10]  }
0x56: {  	[tilespmem:s16+$0xFFFFFFB0] =	vst v0;
	v0 =	vmul.f32 $1.131370830e+01, v3;
	v3 =	vld [tilespmem:s16+$0x20]  }
0x57: {  	[tilespmem:s16+$0xFFFFFFC0] =	vst v1;
	v1 =	vmul.f32 $1.131370830e+01, v4;
	v4 =	vld [tilespmem:s16+$0x30]  }
0x58: {  	[tilespmem:s16+$0xFFFFFFD0] =	vst v0;
	v0 =	vmul.f32 $1.131370830e+01, v2;
	v2 =	vld [tilespmem:s16+$0x40]  }
0x59: {  	[tilespmem:s16+$0xFFFFFFE0] =	vst v1;
	v1 =	vmul.f32 $1.131370830e+01, v5;
	v5 =	vld [tilespmem:s16+$0x50]  }
0x5a: {  	[tilespmem:s16+$0xFFFFFFF0] =	vst v0;
	v0 =	vmul.f32 $1.131370830e+01, v6;
	v6 =	vld [tilespmem:s16+$0x60]  }
0x5b: {  	[tilespmem:s16+$0x0] =	vst v1;
	v1 =	vmul.f32 $1.131370830e+01, v3;
	v3 =	vld [tilespmem:s16+$0x70]  }
0x5c: {  	[tilespmem:s16+$0x10] =	vst v0;
	v0 =	vmul.f32 $1.131370830e+01, v4;
	v4 =	vld [tilespmem:s16+$0x80]  }
0x5d: {  	[tilespmem:s16+$0x20] =	vst v1;
	v1 =	vmul.f32 $1.131370830e+01, v2;
	v7 =	vld [tilespmem:s16+$0x90]  }
0x5e: {  	[tilespmem:s16+$0x30] =	vst v0;
	v2 =	vmul.f32 $1.131370830e+01, v5;
	v8 =	vld [tilespmem:s16+$0xA0]  }
.Ltmp0:
0x5f: {  	[tilespmem:s16+$0x40] =	vst v1;
	v5 =	vmul.f32 $1.131370830e+01, v6;
	v0 =	vld [tilespmem:s16+$0xB0];
	(pc) =	sbr.rel @p0 .LBB2_3-.Ltmp0, $4  }
0x60: {  	[tilespmem:s16+$0x50] =	vst v2;
	v3 =	vmul.f32 $1.131370830e+01, v3;
	v1 =	vld [tilespmem:s16+$0xC0]  }
0x61: {  	[tilespmem:s16+$0x60] =	vst v5;
	v6 =	vmul.f32 $1.131370830e+01, v4;
	v2 =	vld [tilespmem:s16+$0xD0]  }
0x62: {  	[tilespmem:s16+$0x70] =	vst v3;
	v5 =	vmul.f32 $1.131370830e+01, v7;
	v3 =	vld [tilespmem:s16+$0xE0]  }
0x63: {  	s16 =	sadd.s32 $0x200, s16;
	v4 =	vld [tilespmem:s1+$0xFFFFFF00];
	[tilespmem:s1+$0x80] =	vst v6;
	v6 =	vmul.f32 $1.131370830e+01, v8  }
0x64: {  	[tilespmem:s1+$0x90] =	vst v5;
	v0 =	vmul.f32 $1.131370830e+01, v0  }
0x65: {  	[tilespmem:s1+$0xA0] =	vst v6;
	v1 =	vmul.f32 $1.131370830e+01, v1  }
0x66: {  	[tilespmem:s1+$0xB0] =	vst v0;
	v0 =	vmul.f32 $1.131370830e+01, v2  }
0x67: {  	s0 =	sshll.u32 s29, $0x10;
	[tilespmem:s1+$0xC0] =	vst v1;
	v1 =	vmul.f32 $1.131370830e+01, v3  }
0x68: {  	s0 =	sadd.s32 s5, s0;
	v2 =	vmul.f32 $1.131370830e+01, v4;
	[tilespmem:s1+$0xD0] =	vst v0  }
0x69: {  	s0 =	sshrl.u32 s0, $0x3;
	[tilespmem:s1+$0xE0] =	vst v1  }
0x6a: {  	s0 =	sadd.s32 s3, s0;
	[tilespmem:s1+$0xFFFFFF00] =	vst v2  }
0x6b: {  	[hbm4b:s0+s4] =	stream.linear.scatter [tilespmem:s14], [sflag:$0x5], $0x4000, $0x38;
	[tilespmem:$0x11C00] =	vst v63  }
0x6c: {  	s1 =	sshll.u32 s29, $0x9;
	_ =	swait.ge [sflag:s20], $0x4000  }
0x6d: {  	s31 =	sand.u32 $0x3FFFFE00, s1;
	[sflag:s20] =	ssyncset.done $0x0  }
0x6e: {  	s16 =	sadd.s32 $0x200, s31;
	[sflag:s20] =	ssyncadd.s32 $0xFFFFC000  }
0x6f: {  	[tilespmem:s14], [sflag:$0x1] =	stream.indirect.gather [hbm4b:s2+s13], $0x80, s16, s13, $0xb8;
	[tilespmem:$0x11C00] =	vst v63  }
0x70: {  	_ =	swait.ge [sflag:s21], $0x4000  }
0x71: {  	[sflag:s21] =	ssyncset.done $0x0  }
0x72: {  	s0 =	simm.s32 $0x5D00;
	[sflag:s21] =	ssyncadd.s32 $0xFFFFC000  }
0x73: {  	v0 =	vld [tilespmem:s0+$0xF0]  }
0x74: {  	v1 =	vld [tilespmem:s0+$0xFFFFFF10]  }
0x75: {  	v2 =	vld [tilespmem:s0+$0xFFFFFF20]  }
0x76: {  	v3 =	vld [tilespmem:s0+$0xFFFFFF30]  }
0x77: {  	v6 =	vld [tilespmem:s0+$0xFFFFFF60]  }
0x78: {  	v4 =	vld [tilespmem:s0+$0xFFFFFF40]  }
0x79: {  	v5 =	vld [tilespmem:s0+$0xFFFFFF50];
	v0 =	vmul.f32 $1.131370830e+01, v0  }
0x7a: {  	v8 =	vld [tilespmem:s0+$0xFFFFFF80];
	v1 =	vmul.f32 $1.131370830e+01, v1  }
0x7b: {  	v7 =	vld [tilespmem:s0+$0xFFFFFF70];
	v2 =	vmul.f32 $1.131370830e+01, v2;
	[tilespmem:s0+$0xF0] =	vst v0  }
0x7c: {  	v6 =	vmul.f32 $1.131370830e+01, v6;
	v0 =	vld [tilespmem:s0+$0xFFFFFF90];
	[tilespmem:s0+$0xFFFFFF10] =	vst v1  }
0x7d: {  	v1 =	vmul.f32 $1.131370830e+01, v3;
	v3 =	vld [tilespmem:s0+$0xFFFFFFA0];
	[tilespmem:s0+$0xFFFFFF20] =	vst v2;
	v2 =	vmul.f32 $1.131370830e+01, v4  }
0x7e: {  	[tilespmem:s0+$0xFFFFFF60] =	vst v6;
	v6 =	vld [tilespmem:s0+$0xFFFFFFF0]  }
0x7f: {  	v4 =	vld [tilespmem:s0+$0xFFFFFFB0];
	[tilespmem:s0+$0xFFFFFF40] =	vst v2;
	v2 =	vmul.f32 $1.131370830e+01, v8  }
0x80: {  	[tilespmem:s0+$0xFFFFFF30] =	vst v1;
	v1 =	vmul.f32 $1.131370830e+01, v5;
	v5 =	vld [tilespmem:s0+$0xFFFFFFC0]  }
0x81: {  	v8 =	vld [tilespmem:s0+$0xFFFFFFD0];
	[tilespmem:s0+$0xFFFFFF80] =	vst v2;
	v2 =	vmul.f32 $1.131370830e+01, v7  }
0x82: {  	[tilespmem:s0+$0xFFFFFF50] =	vst v1;
	v1 =	vld [tilespmem:s0+$0xFFFFFFE0];
	v0 =	vmul.f32 $1.131370830e+01, v0  }
0x83: {  	v7 =	vld [tilespmem:s0+$0x30];
	v6 =	vmul.f32 $1.131370830e+01, v6;
	[tilespmem:s0+$0xFFFFFF70] =	vst v2  }
0x84: {  	v2 =	vmul.f32 $1.131370830e+01, v3;
	v3 =	vld [tilespmem:s0+$0x0];
	[tilespmem:s0+$0xFFFFFF90] =	vst v0  }
0x85: {  	v0 =	vmul.f32 $1.131370830e+01, v4;
	v4 =	vld [tilespmem:s0+$0x10];
	[tilespmem:s0+$0xFFFFFFF0] =	vst v6  }
0x86: {  	[tilespmem:s0+$0xFFFFFFA0] =	vst v2;
	v2 =	vmul.f32 $1.131370830e+01, v5;
	v5 =	vld [tilespmem:s0+$0x20]  }
0x87: {  	v6 =	vld [tilespmem:s0+$0x80];
	[tilespmem:s0+$0xFFFFFFB0] =	vst v0;
	v0 =	vmul.f32 $1.131370830e+01, v8  }
0x88: {  	v1 =	vmul.f32 $1.131370830e+01, v1;
	[tilespmem:s0+$0xFFFFFFC0] =	vst v2;
	v2 =	vld [tilespmem:s0+$0x40]  }
0x89: {  	[tilespmem:s0+$0xFFFFFFD0] =	vst v0;
	v0 =	vmul.f32 $1.131370830e+01, v3  }
0x8a: {  	v3 =	vld [tilespmem:s0+$0x50];
	[tilespmem:s0+$0xFFFFFFE0] =	vst v1;
	v4 =	vmul.f32 $1.131370830e+01, v4  }
0x8b: {  	v1 =	vld [tilespmem:s0+$0x60];
	[tilespmem:s0+$0x0] =	vst v0;
	v0 =	vmul.f32 $1.131370830e+01, v5  }
0x8c: {  	v6 =	vmul.f32 $1.131370830e+01, v6;
	v5 =	vld [tilespmem:s0+$0x70];
	[tilespmem:s0+$0x10] =	vst v4  }
0x8d: {  	v4 =	vmul.f32 $1.131370830e+01, v7;
	v7 =	vld [tilespmem:s0+$0x90];
	[tilespmem:s0+$0x20] =	vst v0;
	v0 =	vmul.f32 $1.131370830e+01, v2  }
0x8e: {  	v8 =	vld [tilespmem:s0+$0xA0];
	[tilespmem:s0+$0x80] =	vst v6  }
0x8f: {  	v2 =	vmul.f32 $1.131370830e+01, v3;
	[tilespmem:s0+$0x40] =	vst v0;
	v0 =	vld [tilespmem:s0+$0xB0]  }
0x90: {  	[tilespmem:s0+$0x30] =	vst v4;
	v3 =	vmul.f32 $1.131370830e+01, v1;
	v1 =	vld [tilespmem:s0+$0xC0]  }
0x91: {  	[tilespmem:s0+$0x50] =	vst v2;
	v4 =	vmul.f32 $1.131370830e+01, v5;
	v2 =	vld [tilespmem:s0+$0xD0]  }
0x92: {  	[tilespmem:s0+$0x60] =	vst v3;
	v3 =	vld [tilespmem:s0+$0xE0];
	v5 =	vmul.f32 $1.131370830e+01, v7  }
0x93: {  	s6 =	simm.s32 $0x5F00;
	s16 =	simm.s32 $0x0;
	v6 =	vmul.f32 $1.131370830e+01, v8;
	[tilespmem:s0+$0x70] =	vst v4;
	v4 =	vld [tilespmem:s0+$0xFFFFFF00]  }
.LBB2_5:
0x94: {  	v7 =	vld [tilespmem:s6+$0xF0];
	s16 =	sadd.s32 $0x4, s16;
	[tilespmem:s0+$0x90] =	vst v5;
	v0 =	vmul.f32 $1.131370830e+01, v0  }
0x95: {  	v5 =	vld [tilespmem:s6+$0xFFFFFF10];
	p0 =	slt.u32 s16, $0x7C;
	[tilespmem:s0+$0xA0] =	vst v6;
	v1 =	vmul.f32 $1.131370830e+01, v1  }
0x96: {  	v6 =	vld [tilespmem:s6+$0xFFFFFF20];
	[tilespmem:s0+$0xB0] =	vst v0;
	v0 =	vmul.f32 $1.131370830e+01, v2  }
0x97: {  	v2 =	vld [tilespmem:s6+$0xFFFFFF30];
	[tilespmem:s0+$0xC0] =	vst v1;
	v1 =	vmul.f32 $1.131370830e+01, v3  }
0x98: {  	v3 =	vld [tilespmem:s6+$0xFFFFFF40];
	v4 =	vmul.f32 $1.131370830e+01, v4;
	[tilespmem:s0+$0xD0] =	vst v0  }
0x99: {  	v0 =	vld [tilespmem:s6+$0xFFFFFF50];
	v7 =	vmul.f32 $1.131370830e+01, v7;
	[tilespmem:s0+$0xE0] =	vst v1  }
0x9a: {  	v1 =	vmul.f32 $1.131370830e+01, v5;
	v5 =	vld [tilespmem:s6+$0xFFFFFF60];
	[tilespmem:s0+$0xFFFFFF00] =	vst v4;
	s0 =	smov.u32 s6  }
0x9b: {  	v4 =	vmul.f32 $1.131370830e+01, v6;
	v6 =	vld [tilespmem:s6+$0xFFFFFF70];
	[tilespmem:s6+$0xF0] =	vst v7  }
0x9c: {  	[tilespmem:s6+$0xFFFFFF10] =	vst v1;
	v1 =	vmul.f32 $1.131370830e+01, v2;
	v2 =	vld [tilespmem:s6+$0xFFFFFF80]  }
0x9d: {  	[tilespmem:s6+$0xFFFFFF20] =	vst v4;
	v3 =	vmul.f32 $1.131370830e+01, v3;
	v4 =	vld [tilespmem:s6+$0xFFFFFF90]  }
0x9e: {  	[tilespmem:s6+$0xFFFFFF30] =	vst v1;
	v0 =	vmul.f32 $1.131370830e+01, v0;
	v1 =	vld [tilespmem:s6+$0xFFFFFFA0]  }
0x9f: {  	[tilespmem:s6+$0xFFFFFF40] =	vst v3;
	v3 =	vmul.f32 $1.131370830e+01, v5;
	v5 =	vld [tilespmem:s6+$0xFFFFFFB0]  }
0xa0: {  	[tilespmem:s6+$0xFFFFFF50] =	vst v0;
	v0 =	vmul.f32 $1.131370830e+01, v6;
	v6 =	vld [tilespmem:s6+$0xFFFFFFC0]  }
0xa1: {  	[tilespmem:s6+$0xFFFFFF60] =	vst v3;
	v2 =	vmul.f32 $1.131370830e+01, v2;
	v3 =	vld [tilespmem:s6+$0xFFFFFFD0]  }
0xa2: {  	[tilespmem:s6+$0xFFFFFF70] =	vst v0;
	v0 =	vmul.f32 $1.131370830e+01, v4;
	v4 =	vld [tilespmem:s6+$0xFFFFFFE0]  }
0xa3: {  	[tilespmem:s6+$0xFFFFFF80] =	vst v2;
	v1 =	vmul.f32 $1.131370830e+01, v1;
	v2 =	vld [tilespmem:s6+$0xFFFFFFF0]  }
0xa4: {  	[tilespmem:s6+$0xFFFFFF90] =	vst v0;
	v0 =	vmul.f32 $1.131370830e+01, v5;
	v5 =	vld [tilespmem:s6+$0x0]  }
0xa5: {  	[tilespmem:s6+$0xFFFFFFA0] =	vst v1;
	v1 =	vmul.f32 $1.131370830e+01, v6;
	v6 =	vld [tilespmem:s6+$0x10]  }
0xa6: {  	[tilespmem:s6+$0xFFFFFFB0] =	vst v0;
	v0 =	vmul.f32 $1.131370830e+01, v3;
	v3 =	vld [tilespmem:s6+$0x20]  }
0xa7: {  	[tilespmem:s6+$0xFFFFFFC0] =	vst v1;
	v1 =	vmul.f32 $1.131370830e+01, v4;
	v4 =	vld [tilespmem:s6+$0x30]  }
0xa8: {  	[tilespmem:s6+$0xFFFFFFD0] =	vst v0;
	v0 =	vmul.f32 $1.131370830e+01, v2;
	v2 =	vld [tilespmem:s6+$0x40]  }
0xa9: {  	[tilespmem:s6+$0xFFFFFFE0] =	vst v1;
	v1 =	vmul.f32 $1.131370830e+01, v5;
	v5 =	vld [tilespmem:s6+$0x50]  }
0xaa: {  	[tilespmem:s6+$0xFFFFFFF0] =	vst v0;
	v0 =	vmul.f32 $1.131370830e+01, v6;
	v6 =	vld [tilespmem:s6+$0x60]  }
0xab: {  	[tilespmem:s6+$0x0] =	vst v1;
	v1 =	vmul.f32 $1.131370830e+01, v3;
	v3 =	vld [tilespmem:s6+$0x70]  }
0xac: {  	[tilespmem:s6+$0x10] =	vst v0;
	v0 =	vmul.f32 $1.131370830e+01, v4;
	v4 =	vld [tilespmem:s6+$0x80]  }
0xad: {  	[tilespmem:s6+$0x20] =	vst v1;
	v1 =	vmul.f32 $1.131370830e+01, v2;
	v7 =	vld [tilespmem:s6+$0x90]  }
0xae: {  	[tilespmem:s6+$0x30] =	vst v0;
	v2 =	vmul.f32 $1.131370830e+01, v5;
	v8 =	vld [tilespmem:s6+$0xA0]  }
.Ltmp1:
0xaf: {  	[tilespmem:s6+$0x40] =	vst v1;
	v5 =	vmul.f32 $1.131370830e+01, v6;
	v0 =	vld [tilespmem:s6+$0xB0];
	(pc) =	sbr.rel @p0 .LBB2_5-.Ltmp1, $4  }
0xb0: {  	[tilespmem:s6+$0x50] =	vst v2;
	v3 =	vmul.f32 $1.131370830e+01, v3;
	v1 =	vld [tilespmem:s6+$0xC0]  }
0xb1: {  	[tilespmem:s6+$0x60] =	vst v5;
	v6 =	vmul.f32 $1.131370830e+01, v4;
	v2 =	vld [tilespmem:s6+$0xD0]  }
0xb2: {  	[tilespmem:s6+$0x70] =	vst v3;
	v5 =	vmul.f32 $1.131370830e+01, v7;
	v3 =	vld [tilespmem:s6+$0xE0]  }
0xb3: {  	s6 =	sadd.s32 $0x200, s6;
	v4 =	vld [tilespmem:s0+$0xFFFFFF00];
	[tilespmem:s0+$0x80] =	vst v6;
	v6 =	vmul.f32 $1.131370830e+01, v8  }
0xb4: {  	[tilespmem:s0+$0x90] =	vst v5;
	v0 =	vmul.f32 $1.131370830e+01, v0  }
0xb5: {  	[tilespmem:s0+$0xA0] =	vst v6;
	v1 =	vmul.f32 $1.131370830e+01, v1  }
0xb6: {  	[tilespmem:s0+$0xB0] =	vst v0;
	v0 =	vmul.f32 $1.131370830e+01, v2  }
0xb7: {  	[tilespmem:s0+$0xC0] =	vst v1;
	v1 =	vmul.f32 $1.131370830e+01, v3  }
0xb8: {  	s6 =	sadd.s32 s1, s7;
	v2 =	vmul.f32 $1.131370830e+01, v4;
	[tilespmem:s0+$0xD0] =	vst v0  }
0xb9: {  	s6 =	sshll.u32 s6, $0x4;
	[tilespmem:s0+$0xE0] =	vst v1  }
0xba: {  	s6 =	sadd.s32 s3, s6;
	[tilespmem:s0+$0xFFFFFF00] =	vst v2  }
0xbb: {  	[hbm4b:s6+s4] =	stream.linear.scatter [tilespmem:s15], [sflag:$0x6], $0x4000, $0x38;
	[tilespmem:$0x11C00] =	vst v63  }
0xbc: {  	_ =	swait.ge [sflag:s22], $0x4000  }
0xbd: {  	[sflag:s22] =	ssyncset.done $0x0  }
0xbe: {  	s16 =	sadd.s32 $0x280, s31;
	[sflag:s22] =	ssyncadd.s32 $0xFFFFC000  }
0xbf: {  	[tilespmem:s15], [sflag:$0x2] =	stream.indirect.gather [hbm4b:s2+s13], $0x80, s16, s13, $0xb8;
	[tilespmem:$0x11C00] =	vst v63  }
0xc0: {  	_ =	swait.ge [sflag:s23], $0x4000  }
0xc1: {  	[sflag:s23] =	ssyncset.done $0x0  }
0xc2: {  	s0 =	simm.s32 $0x9D00;
	[sflag:s23] =	ssyncadd.s32 $0xFFFFC000  }
0xc3: {  	v0 =	vld [tilespmem:s0+$0xF0]  }
0xc4: {  	v1 =	vld [tilespmem:s0+$0xFFFFFF10]  }
0xc5: {  	v2 =	vld [tilespmem:s0+$0xFFFFFF20]  }
0xc6: {  	v3 =	vld [tilespmem:s0+$0xFFFFFF30]  }
0xc7: {  	v6 =	vld [tilespmem:s0+$0xFFFFFF60]  }
0xc8: {  	v4 =	vld [tilespmem:s0+$0xFFFFFF40]  }
0xc9: {  	v5 =	vld [tilespmem:s0+$0xFFFFFF50];
	v0 =	vmul.f32 $1.131370830e+01, v0  }
0xca: {  	v8 =	vld [tilespmem:s0+$0xFFFFFF80];
	v1 =	vmul.f32 $1.131370830e+01, v1  }
0xcb: {  	v7 =	vld [tilespmem:s0+$0xFFFFFF70];
	v2 =	vmul.f32 $1.131370830e+01, v2;
	[tilespmem:s0+$0xF0] =	vst v0  }
0xcc: {  	v6 =	vmul.f32 $1.131370830e+01, v6;
	v0 =	vld [tilespmem:s0+$0xFFFFFF90];
	[tilespmem:s0+$0xFFFFFF10] =	vst v1  }
0xcd: {  	v1 =	vmul.f32 $1.131370830e+01, v3;
	v3 =	vld [tilespmem:s0+$0xFFFFFFA0];
	[tilespmem:s0+$0xFFFFFF20] =	vst v2;
	v2 =	vmul.f32 $1.131370830e+01, v4  }
0xce: {  	[tilespmem:s0+$0xFFFFFF60] =	vst v6;
	v6 =	vld [tilespmem:s0+$0xFFFFFFF0]  }
0xcf: {  	v4 =	vld [tilespmem:s0+$0xFFFFFFB0];
	[tilespmem:s0+$0xFFFFFF40] =	vst v2;
	v2 =	vmul.f32 $1.131370830e+01, v8  }
0xd0: {  	[tilespmem:s0+$0xFFFFFF30] =	vst v1;
	v1 =	vmul.f32 $1.131370830e+01, v5;
	v5 =	vld [tilespmem:s0+$0xFFFFFFC0]  }
0xd1: {  	v8 =	vld [tilespmem:s0+$0xFFFFFFD0];
	[tilespmem:s0+$0xFFFFFF80] =	vst v2;
	v2 =	vmul.f32 $1.131370830e+01, v7  }
0xd2: {  	[tilespmem:s0+$0xFFFFFF50] =	vst v1;
	v1 =	vld [tilespmem:s0+$0xFFFFFFE0];
	v0 =	vmul.f32 $1.131370830e+01, v0  }
0xd3: {  	v7 =	vld [tilespmem:s0+$0x30];
	v6 =	vmul.f32 $1.131370830e+01, v6;
	[tilespmem:s0+$0xFFFFFF70] =	vst v2  }
0xd4: {  	v2 =	vmul.f32 $1.131370830e+01, v3;
	v3 =	vld [tilespmem:s0+$0x0];
	[tilespmem:s0+$0xFFFFFF90] =	vst v0  }
0xd5: {  	v0 =	vmul.f32 $1.131370830e+01, v4;
	v4 =	vld [tilespmem:s0+$0x10];
	[tilespmem:s0+$0xFFFFFFF0] =	vst v6  }
0xd6: {  	[tilespmem:s0+$0xFFFFFFA0] =	vst v2;
	v2 =	vmul.f32 $1.131370830e+01, v5;
	v5 =	vld [tilespmem:s0+$0x20]  }
0xd7: {  	v6 =	vld [tilespmem:s0+$0x80];
	[tilespmem:s0+$0xFFFFFFB0] =	vst v0;
	v0 =	vmul.f32 $1.131370830e+01, v8  }
0xd8: {  	v1 =	vmul.f32 $1.131370830e+01, v1;
	[tilespmem:s0+$0xFFFFFFC0] =	vst v2;
	v2 =	vld [tilespmem:s0+$0x40]  }
0xd9: {  	[tilespmem:s0+$0xFFFFFFD0] =	vst v0;
	v0 =	vmul.f32 $1.131370830e+01, v3  }
0xda: {  	v3 =	vld [tilespmem:s0+$0x50];
	[tilespmem:s0+$0xFFFFFFE0] =	vst v1;
	v4 =	vmul.f32 $1.131370830e+01, v4  }
0xdb: {  	v1 =	vld [tilespmem:s0+$0x60];
	[tilespmem:s0+$0x0] =	vst v0;
	v0 =	vmul.f32 $1.131370830e+01, v5  }
0xdc: {  	v6 =	vmul.f32 $1.131370830e+01, v6;
	v5 =	vld [tilespmem:s0+$0x70];
	[tilespmem:s0+$0x10] =	vst v4  }
0xdd: {  	v4 =	vmul.f32 $1.131370830e+01, v7;
	v7 =	vld [tilespmem:s0+$0x90];
	[tilespmem:s0+$0x20] =	vst v0;
	v0 =	vmul.f32 $1.131370830e+01, v2  }
0xde: {  	v8 =	vld [tilespmem:s0+$0xA0];
	[tilespmem:s0+$0x80] =	vst v6  }
0xdf: {  	v2 =	vmul.f32 $1.131370830e+01, v3;
	[tilespmem:s0+$0x40] =	vst v0;
	v0 =	vld [tilespmem:s0+$0xB0]  }
0xe0: {  	[tilespmem:s0+$0x30] =	vst v4;
	v3 =	vmul.f32 $1.131370830e+01, v1;
	v1 =	vld [tilespmem:s0+$0xC0]  }
0xe1: {  	[tilespmem:s0+$0x50] =	vst v2;
	v4 =	vmul.f32 $1.131370830e+01, v5;
	v2 =	vld [tilespmem:s0+$0xD0]  }
0xe2: {  	[tilespmem:s0+$0x60] =	vst v3;
	v3 =	vld [tilespmem:s0+$0xE0];
	v5 =	vmul.f32 $1.131370830e+01, v7  }
0xe3: {  	s6 =	simm.s32 $0x9F00;
	s16 =	simm.s32 $0x0;
	v6 =	vmul.f32 $1.131370830e+01, v8;
	[tilespmem:s0+$0x70] =	vst v4;
	v4 =	vld [tilespmem:s0+$0xFFFFFF00]  }
.LBB2_7:
0xe4: {  	v7 =	vld [tilespmem:s6+$0xF0];
	s16 =	sadd.s32 $0x4, s16;
	[tilespmem:s0+$0x90] =	vst v5;
	v0 =	vmul.f32 $1.131370830e+01, v0  }
0xe5: {  	v5 =	vld [tilespmem:s6+$0xFFFFFF10];
	p0 =	slt.u32 s16, $0x7C;
	[tilespmem:s0+$0xA0] =	vst v6;
	v1 =	vmul.f32 $1.131370830e+01, v1  }
0xe6: {  	v6 =	vld [tilespmem:s6+$0xFFFFFF20];
	[tilespmem:s0+$0xB0] =	vst v0;
	v0 =	vmul.f32 $1.131370830e+01, v2  }
0xe7: {  	v2 =	vld [tilespmem:s6+$0xFFFFFF30];
	[tilespmem:s0+$0xC0] =	vst v1;
	v1 =	vmul.f32 $1.131370830e+01, v3  }
0xe8: {  	v3 =	vld [tilespmem:s6+$0xFFFFFF40];
	v4 =	vmul.f32 $1.131370830e+01, v4;
	[tilespmem:s0+$0xD0] =	vst v0  }
0xe9: {  	v0 =	vld [tilespmem:s6+$0xFFFFFF50];
	v7 =	vmul.f32 $1.131370830e+01, v7;
	[tilespmem:s0+$0xE0] =	vst v1  }
0xea: {  	v1 =	vmul.f32 $1.131370830e+01, v5;
	v5 =	vld [tilespmem:s6+$0xFFFFFF60];
	[tilespmem:s0+$0xFFFFFF00] =	vst v4;
	s0 =	smov.u32 s6  }
0xeb: {  	v4 =	vmul.f32 $1.131370830e+01, v6;
	v6 =	vld [tilespmem:s6+$0xFFFFFF70];
	[tilespmem:s6+$0xF0] =	vst v7  }
0xec: {  	[tilespmem:s6+$0xFFFFFF10] =	vst v1;
	v1 =	vmul.f32 $1.131370830e+01, v2;
	v2 =	vld [tilespmem:s6+$0xFFFFFF80]  }
0xed: {  	[tilespmem:s6+$0xFFFFFF20] =	vst v4;
	v3 =	vmul.f32 $1.131370830e+01, v3;
	v4 =	vld [tilespmem:s6+$0xFFFFFF90]  }
0xee: {  	[tilespmem:s6+$0xFFFFFF30] =	vst v1;
	v0 =	vmul.f32 $1.131370830e+01, v0;
	v1 =	vld [tilespmem:s6+$0xFFFFFFA0]  }
0xef: {  	[tilespmem:s6+$0xFFFFFF40] =	vst v3;
	v3 =	vmul.f32 $1.131370830e+01, v5;
	v5 =	vld [tilespmem:s6+$0xFFFFFFB0]  }
0xf0: {  	[tilespmem:s6+$0xFFFFFF50] =	vst v0;
	v0 =	vmul.f32 $1.131370830e+01, v6;
	v6 =	vld [tilespmem:s6+$0xFFFFFFC0]  }
0xf1: {  	[tilespmem:s6+$0xFFFFFF60] =	vst v3;
	v2 =	vmul.f32 $1.131370830e+01, v2;
	v3 =	vld [tilespmem:s6+$0xFFFFFFD0]  }
0xf2: {  	[tilespmem:s6+$0xFFFFFF70] =	vst v0;
	v0 =	vmul.f32 $1.131370830e+01, v4;
	v4 =	vld [tilespmem:s6+$0xFFFFFFE0]  }
0xf3: {  	[tilespmem:s6+$0xFFFFFF80] =	vst v2;
	v1 =	vmul.f32 $1.131370830e+01, v1;
	v2 =	vld [tilespmem:s6+$0xFFFFFFF0]  }
0xf4: {  	[tilespmem:s6+$0xFFFFFF90] =	vst v0;
	v0 =	vmul.f32 $1.131370830e+01, v5;
	v5 =	vld [tilespmem:s6+$0x0]  }
0xf5: {  	[tilespmem:s6+$0xFFFFFFA0] =	vst v1;
	v1 =	vmul.f32 $1.131370830e+01, v6;
	v6 =	vld [tilespmem:s6+$0x10]  }
0xf6: {  	[tilespmem:s6+$0xFFFFFFB0] =	vst v0;
	v0 =	vmul.f32 $1.131370830e+01, v3;
	v3 =	vld [tilespmem:s6+$0x20]  }
0xf7: {  	[tilespmem:s6+$0xFFFFFFC0] =	vst v1;
	v1 =	vmul.f32 $1.131370830e+01, v4;
	v4 =	vld [tilespmem:s6+$0x30]  }
0xf8: {  	[tilespmem:s6+$0xFFFFFFD0] =	vst v0;
	v0 =	vmul.f32 $1.131370830e+01, v2;
	v2 =	vld [tilespmem:s6+$0x40]  }
0xf9: {  	[tilespmem:s6+$0xFFFFFFE0] =	vst v1;
	v1 =	vmul.f32 $1.131370830e+01, v5;
	v5 =	vld [tilespmem:s6+$0x50]  }
0xfa: {  	[tilespmem:s6+$0xFFFFFFF0] =	vst v0;
	v0 =	vmul.f32 $1.131370830e+01, v6;
	v6 =	vld [tilespmem:s6+$0x60]  }
0xfb: {  	[tilespmem:s6+$0x0] =	vst v1;
	v1 =	vmul.f32 $1.131370830e+01, v3;
	v3 =	vld [tilespmem:s6+$0x70]  }
0xfc: {  	[tilespmem:s6+$0x10] =	vst v0;
	v0 =	vmul.f32 $1.131370830e+01, v4;
	v4 =	vld [tilespmem:s6+$0x80]  }
0xfd: {  	[tilespmem:s6+$0x20] =	vst v1;
	v1 =	vmul.f32 $1.131370830e+01, v2;
	v7 =	vld [tilespmem:s6+$0x90]  }
0xfe: {  	[tilespmem:s6+$0x30] =	vst v0;
	v2 =	vmul.f32 $1.131370830e+01, v5;
	v8 =	vld [tilespmem:s6+$0xA0]  }
.Ltmp2:
0xff: {  	[tilespmem:s6+$0x40] =	vst v1;
	v5 =	vmul.f32 $1.131370830e+01, v6;
	v0 =	vld [tilespmem:s6+$0xB0];
	(pc) =	sbr.rel @p0 .LBB2_7-.Ltmp2, $4  }
0x100: {  	[tilespmem:s6+$0x50] =	vst v2;
	v3 =	vmul.f32 $1.131370830e+01, v3;
	v1 =	vld [tilespmem:s6+$0xC0]  }
0x101: {  	[tilespmem:s6+$0x60] =	vst v5;
	v6 =	vmul.f32 $1.131370830e+01, v4;
	v2 =	vld [tilespmem:s6+$0xD0]  }
0x102: {  	[tilespmem:s6+$0x70] =	vst v3;
	v5 =	vmul.f32 $1.131370830e+01, v7;
	v3 =	vld [tilespmem:s6+$0xE0]  }
0x103: {  	s6 =	sadd.s32 $0x200, s6;
	v4 =	vld [tilespmem:s0+$0xFFFFFF00];
	[tilespmem:s0+$0x80] =	vst v6;
	v6 =	vmul.f32 $1.131370830e+01, v8  }
0x104: {  	[tilespmem:s0+$0x90] =	vst v5;
	v0 =	vmul.f32 $1.131370830e+01, v0  }
0x105: {  	[tilespmem:s0+$0xA0] =	vst v6;
	v1 =	vmul.f32 $1.131370830e+01, v1  }
0x106: {  	[tilespmem:s0+$0xB0] =	vst v0;
	v0 =	vmul.f32 $1.131370830e+01, v2  }
0x107: {  	[tilespmem:s0+$0xC0] =	vst v1;
	v1 =	vmul.f32 $1.131370830e+01, v3  }
0x108: {  	s1 =	sadd.s32 s1, s8;
	v2 =	vmul.f32 $1.131370830e+01, v4;
	[tilespmem:s0+$0xD0] =	vst v0  }
0x109: {  	p0 =	seq.s32 s29, $0xB;
	s1 =	sshll.u32 s1, $0x4;
	[tilespmem:s0+$0xE0] =	vst v1  }
0x10a: {  	s16 =	sadd.s32 s3, s1;
	[tilespmem:s0+$0xFFFFFF00] =	vst v2;
	s0 =	simm.s32 @!p0 $0x7  }
0x10b: {  	[hbm4b:s16+s4] =	stream.linear.scatter [tilespmem:s17], [sflag:$0x7], $0x4000, $0x38;
	[tilespmem:$0x11C00] =	vst v63  }
0x10c: {  	_ =	swait.ge @!p0 [sflag:s0], $0x4000  }
0x10d: {  	s6 =	simm.s32 @!p0 $0x9C00;
	[sflag:s0] =	ssyncset.done @!p0 $0x0  }
0x10e: {  	s1 =	simm.s32 @!p0 $0x80;
	[sflag:s0] =	ssyncadd.s32 @!p0 $0xFFFFC000;
	s0 =	sadd.s32 @!p0 $0x300, s31  }
0x10f: {  	[tilespmem:s6], [sflag:$0x3] =	stream.indirect.gather @!p0 [hbm4b:s2+s1], $0x80, s0, s1, $0xb8;
	[tilespmem:$0x11C00] =	vst v63  }
0x110: {  	_ =	swait.ge [sflag:s24], $0x4000  }
0x111: {  	[sflag:s24] =	ssyncset.done $0x0  }
0x112: {  	s1 =	simm.s32 $0xDD00;
	[sflag:s24] =	ssyncadd.s32 $0xFFFFC000  }
0x113: {  	v0 =	vld [tilespmem:s1+$0xF0]  }
0x114: {  	v1 =	vld [tilespmem:s1+$0xFFFFFF10]  }
0x115: {  	v2 =	vld [tilespmem:s1+$0xFFFFFF20]  }
0x116: {  	v3 =	vld [tilespmem:s1+$0xFFFFFF30]  }
0x117: {  	v6 =	vld [tilespmem:s1+$0xFFFFFF60]  }
0x118: {  	v4 =	vld [tilespmem:s1+$0xFFFFFF40]  }
0x119: {  	v5 =	vld [tilespmem:s1+$0xFFFFFF50];
	v0 =	vmul.f32 $1.131370830e+01, v0  }
0x11a: {  	v8 =	vld [tilespmem:s1+$0xFFFFFF80];
	v1 =	vmul.f32 $1.131370830e+01, v1  }
0x11b: {  	v7 =	vld [tilespmem:s1+$0xFFFFFF70];
	v2 =	vmul.f32 $1.131370830e+01, v2;
	[tilespmem:s1+$0xF0] =	vst v0  }
0x11c: {  	v6 =	vmul.f32 $1.131370830e+01, v6;
	v0 =	vld [tilespmem:s1+$0xFFFFFF90];
	[tilespmem:s1+$0xFFFFFF10] =	vst v1  }
0x11d: {  	v1 =	vmul.f32 $1.131370830e+01, v3;
	v3 =	vld [tilespmem:s1+$0xFFFFFFA0];
	[tilespmem:s1+$0xFFFFFF20] =	vst v2;
	v2 =	vmul.f32 $1.131370830e+01, v4  }
0x11e: {  	[tilespmem:s1+$0xFFFFFF60] =	vst v6;
	v6 =	vld [tilespmem:s1+$0xFFFFFFF0]  }
0x11f: {  	v4 =	vld [tilespmem:s1+$0xFFFFFFB0];
	[tilespmem:s1+$0xFFFFFF40] =	vst v2;
	v2 =	vmul.f32 $1.131370830e+01, v8  }
0x120: {  	[tilespmem:s1+$0xFFFFFF30] =	vst v1;
	v1 =	vmul.f32 $1.131370830e+01, v5;
	v5 =	vld [tilespmem:s1+$0xFFFFFFC0]  }
0x121: {  	v8 =	vld [tilespmem:s1+$0xFFFFFFD0];
	[tilespmem:s1+$0xFFFFFF80] =	vst v2;
	v2 =	vmul.f32 $1.131370830e+01, v7  }
0x122: {  	[tilespmem:s1+$0xFFFFFF50] =	vst v1;
	v1 =	vld [tilespmem:s1+$0xFFFFFFE0];
	v0 =	vmul.f32 $1.131370830e+01, v0  }
0x123: {  	v7 =	vld [tilespmem:s1+$0x30];
	v6 =	vmul.f32 $1.131370830e+01, v6;
	[tilespmem:s1+$0xFFFFFF70] =	vst v2  }
0x124: {  	v2 =	vmul.f32 $1.131370830e+01, v3;
	v3 =	vld [tilespmem:s1+$0x0];
	[tilespmem:s1+$0xFFFFFF90] =	vst v0  }
0x125: {  	v0 =	vmul.f32 $1.131370830e+01, v4;
	v4 =	vld [tilespmem:s1+$0x10];
	[tilespmem:s1+$0xFFFFFFF0] =	vst v6  }
0x126: {  	[tilespmem:s1+$0xFFFFFFA0] =	vst v2;
	v2 =	vmul.f32 $1.131370830e+01, v5;
	v5 =	vld [tilespmem:s1+$0x20]  }
0x127: {  	v6 =	vld [tilespmem:s1+$0x80];
	[tilespmem:s1+$0xFFFFFFB0] =	vst v0;
	v0 =	vmul.f32 $1.131370830e+01, v8  }
0x128: {  	v1 =	vmul.f32 $1.131370830e+01, v1;
	[tilespmem:s1+$0xFFFFFFC0] =	vst v2;
	v2 =	vld [tilespmem:s1+$0x40]  }
0x129: {  	[tilespmem:s1+$0xFFFFFFD0] =	vst v0;
	v0 =	vmul.f32 $1.131370830e+01, v3  }
0x12a: {  	v3 =	vld [tilespmem:s1+$0x50];
	[tilespmem:s1+$0xFFFFFFE0] =	vst v1;
	v4 =	vmul.f32 $1.131370830e+01, v4  }
0x12b: {  	v1 =	vld [tilespmem:s1+$0x60];
	[tilespmem:s1+$0x0] =	vst v0;
	v0 =	vmul.f32 $1.131370830e+01, v5  }
0x12c: {  	v6 =	vmul.f32 $1.131370830e+01, v6;
	v5 =	vld [tilespmem:s1+$0x70];
	[tilespmem:s1+$0x10] =	vst v4  }
0x12d: {  	v4 =	vmul.f32 $1.131370830e+01, v7;
	v7 =	vld [tilespmem:s1+$0x90];
	[tilespmem:s1+$0x20] =	vst v0;
	v0 =	vmul.f32 $1.131370830e+01, v2  }
0x12e: {  	v8 =	vld [tilespmem:s1+$0xA0];
	[tilespmem:s1+$0x80] =	vst v6  }
0x12f: {  	v2 =	vmul.f32 $1.131370830e+01, v3;
	[tilespmem:s1+$0x40] =	vst v0;
	v0 =	vld [tilespmem:s1+$0xB0]  }
0x130: {  	[tilespmem:s1+$0x30] =	vst v4;
	v3 =	vmul.f32 $1.131370830e+01, v1;
	v1 =	vld [tilespmem:s1+$0xC0]  }
0x131: {  	[tilespmem:s1+$0x50] =	vst v2;
	v4 =	vmul.f32 $1.131370830e+01, v5;
	v2 =	vld [tilespmem:s1+$0xD0]  }
0x132: {  	[tilespmem:s1+$0x60] =	vst v3;
	v3 =	vld [tilespmem:s1+$0xE0];
	v5 =	vmul.f32 $1.131370830e+01, v7  }
0x133: {  	s0 =	simm.s32 $0x0;
	s6 =	simm.s32 $0xDF00;
	v6 =	vmul.f32 $1.131370830e+01, v8;
	[tilespmem:s1+$0x70] =	vst v4;
	v4 =	vld [tilespmem:s1+$0xFFFFFF00]  }
.LBB2_9:
0x134: {  	v7 =	vld [tilespmem:s6+$0xF0];
	s0 =	sadd.s32 $0x4, s0;
	[tilespmem:s1+$0x90] =	vst v5;
	v0 =	vmul.f32 $1.131370830e+01, v0  }
0x135: {  	v5 =	vld [tilespmem:s6+$0xFFFFFF10];
	p0 =	slt.u32 s0, $0x7C;
	[tilespmem:s1+$0xA0] =	vst v6;
	v1 =	vmul.f32 $1.131370830e+01, v1  }
0x136: {  	v6 =	vld [tilespmem:s6+$0xFFFFFF20];
	[tilespmem:s1+$0xB0] =	vst v0;
	v0 =	vmul.f32 $1.131370830e+01, v2  }
0x137: {  	v2 =	vld [tilespmem:s6+$0xFFFFFF30];
	[tilespmem:s1+$0xC0] =	vst v1;
	v1 =	vmul.f32 $1.131370830e+01, v3  }
0x138: {  	v3 =	vld [tilespmem:s6+$0xFFFFFF40];
	v4 =	vmul.f32 $1.131370830e+01, v4;
	[tilespmem:s1+$0xD0] =	vst v0  }
0x139: {  	v0 =	vld [tilespmem:s6+$0xFFFFFF50];
	v7 =	vmul.f32 $1.131370830e+01, v7;
	[tilespmem:s1+$0xE0] =	vst v1  }
0x13a: {  	v1 =	vmul.f32 $1.131370830e+01, v5;
	v5 =	vld [tilespmem:s6+$0xFFFFFF60];
	[tilespmem:s1+$0xFFFFFF00] =	vst v4;
	s1 =	smov.u32 s6  }
0x13b: {  	v4 =	vmul.f32 $1.131370830e+01, v6;
	v6 =	vld [tilespmem:s6+$0xFFFFFF70];
	[tilespmem:s6+$0xF0] =	vst v7  }
0x13c: {  	[tilespmem:s6+$0xFFFFFF10] =	vst v1;
	v1 =	vmul.f32 $1.131370830e+01, v2;
	v2 =	vld [tilespmem:s6+$0xFFFFFF80]  }
0x13d: {  	[tilespmem:s6+$0xFFFFFF20] =	vst v4;
	v3 =	vmul.f32 $1.131370830e+01, v3;
	v4 =	vld [tilespmem:s6+$0xFFFFFF90]  }
0x13e: {  	[tilespmem:s6+$0xFFFFFF30] =	vst v1;
	v0 =	vmul.f32 $1.131370830e+01, v0;
	v1 =	vld [tilespmem:s6+$0xFFFFFFA0]  }
0x13f: {  	[tilespmem:s6+$0xFFFFFF40] =	vst v3;
	v3 =	vmul.f32 $1.131370830e+01, v5;
	v5 =	vld [tilespmem:s6+$0xFFFFFFB0]  }
0x140: {  	[tilespmem:s6+$0xFFFFFF50] =	vst v0;
	v0 =	vmul.f32 $1.131370830e+01, v6;
	v6 =	vld [tilespmem:s6+$0xFFFFFFC0]  }
0x141: {  	[tilespmem:s6+$0xFFFFFF60] =	vst v3;
	v2 =	vmul.f32 $1.131370830e+01, v2;
	v3 =	vld [tilespmem:s6+$0xFFFFFFD0]  }
0x142: {  	[tilespmem:s6+$0xFFFFFF70] =	vst v0;
	v0 =	vmul.f32 $1.131370830e+01, v4;
	v4 =	vld [tilespmem:s6+$0xFFFFFFE0]  }
0x143: {  	[tilespmem:s6+$0xFFFFFF80] =	vst v2;
	v1 =	vmul.f32 $1.131370830e+01, v1;
	v2 =	vld [tilespmem:s6+$0xFFFFFFF0]  }
0x144: {  	[tilespmem:s6+$0xFFFFFF90] =	vst v0;
	v0 =	vmul.f32 $1.131370830e+01, v5;
	v5 =	vld [tilespmem:s6+$0x0]  }
0x145: {  	[tilespmem:s6+$0xFFFFFFA0] =	vst v1;
	v1 =	vmul.f32 $1.131370830e+01, v6;
	v6 =	vld [tilespmem:s6+$0x10]  }
0x146: {  	[tilespmem:s6+$0xFFFFFFB0] =	vst v0;
	v0 =	vmul.f32 $1.131370830e+01, v3;
	v3 =	vld [tilespmem:s6+$0x20]  }
0x147: {  	[tilespmem:s6+$0xFFFFFFC0] =	vst v1;
	v1 =	vmul.f32 $1.131370830e+01, v4;
	v4 =	vld [tilespmem:s6+$0x30]  }
0x148: {  	[tilespmem:s6+$0xFFFFFFD0] =	vst v0;
	v0 =	vmul.f32 $1.131370830e+01, v2;
	v2 =	vld [tilespmem:s6+$0x40]  }
0x149: {  	[tilespmem:s6+$0xFFFFFFE0] =	vst v1;
	v1 =	vmul.f32 $1.131370830e+01, v5;
	v5 =	vld [tilespmem:s6+$0x50]  }
0x14a: {  	[tilespmem:s6+$0xFFFFFFF0] =	vst v0;
	v0 =	vmul.f32 $1.131370830e+01, v6;
	v6 =	vld [tilespmem:s6+$0x60]  }
0x14b: {  	[tilespmem:s6+$0x0] =	vst v1;
	v1 =	vmul.f32 $1.131370830e+01, v3;
	v3 =	vld [tilespmem:s6+$0x70]  }
0x14c: {  	[tilespmem:s6+$0x10] =	vst v0;
	v0 =	vmul.f32 $1.131370830e+01, v4;
	v4 =	vld [tilespmem:s6+$0x80]  }
0x14d: {  	[tilespmem:s6+$0x20] =	vst v1;
	v1 =	vmul.f32 $1.131370830e+01, v2;
	v7 =	vld [tilespmem:s6+$0x90]  }
0x14e: {  	[tilespmem:s6+$0x30] =	vst v0;
	v2 =	vmul.f32 $1.131370830e+01, v5;
	v8 =	vld [tilespmem:s6+$0xA0]  }
.Ltmp3:
0x14f: {  	[tilespmem:s6+$0x40] =	vst v1;
	v5 =	vmul.f32 $1.131370830e+01, v6;
	v0 =	vld [tilespmem:s6+$0xB0];
	(pc) =	sbr.rel @p0 .LBB2_9-.Ltmp3, $4  }
0x150: {  	[tilespmem:s6+$0x50] =	vst v2;
	v3 =	vmul.f32 $1.131370830e+01, v3;
	v1 =	vld [tilespmem:s6+$0xC0]  }
0x151: {  	[tilespmem:s6+$0x60] =	vst v5;
	v6 =	vmul.f32 $1.131370830e+01, v4;
	v2 =	vld [tilespmem:s6+$0xD0]  }
0x152: {  	[tilespmem:s6+$0x70] =	vst v3;
	v5 =	vmul.f32 $1.131370830e+01, v7;
	v3 =	vld [tilespmem:s6+$0xE0]  }
0x153: {  	s6 =	sadd.s32 $0x200, s6;
	v4 =	vld [tilespmem:s1+$0xFFFFFF00];
	[tilespmem:s1+$0x80] =	vst v6;
	v6 =	vmul.f32 $1.131370830e+01, v8  }
0x154: {  	[tilespmem:s1+$0x90] =	vst v5;
	v0 =	vmul.f32 $1.131370830e+01, v0  }
0x155: {  	s29 =	sadd.s32 $0x1, s29;
	[tilespmem:s1+$0xA0] =	vst v6;
	v1 =	vmul.f32 $1.131370830e+01, v1  }
0x156: {  	p0 =	sne.s32 s29, $0xC;
	[tilespmem:s1+$0xB0] =	vst v0;
	v61 =	vmul.f32 $1.131370830e+01, v2  }
.Ltmp4:
0x157: {  	s0 =	sshll.u32 s30, $0xE;
	[tilespmem:s1+$0xC0] =	vst v1;
	v62 =	vmul.f32 $1.131370830e+01, v3;
	(pc) =	sbr.rel @p0 .LBB2_2-.Ltmp4, $4  }
0x158: {  	s0 =	sadd.s32 s5, s0;
	v63 =	vmul.f32 $1.131370830e+01, v4;
	[tilespmem:s1+$0xD0] =	vst v61  }
0x159: {  	s0 =	sshrl.u32 s0, $0x3;
	[tilespmem:s1+$0xE0] =	vst v62  }
0x15a: {  	s0 =	sadd.s32 s3, s0;
	[tilespmem:s1+$0xFFFFFF00] =	vst v63  }
0x15b: {  	[hbm4b:s0+s4] =	stream.linear.scatter [tilespmem:s18], [sflag:$0x8], $0x4000, $0x38;
	[tilespmem:$0x11C00] =	vst v63  }
0x15c: {  	_ =	swait.ge [sflag:s19], $0x4000  }
0x15d: {  	[sflag:s19] =	ssyncset.done $0x0  }
0x15e: {  	s0 =	simm.s32 $0x1D00;
	[sflag:s19] =	ssyncadd.s32 $0xFFFFC000  }
0x15f: {  	v0 =	vld [tilespmem:s0+$0xF0]  }
0x160: {  	v1 =	vld [tilespmem:s0+$0xFFFFFF10]  }
0x161: {  	v2 =	vld [tilespmem:s0+$0xFFFFFF20]  }
0x162: {  	v3 =	vld [tilespmem:s0+$0xFFFFFF30]  }
0x163: {  	v6 =	vld [tilespmem:s0+$0xFFFFFF60]  }
0x164: {  	v4 =	vld [tilespmem:s0+$0xFFFFFF40]  }
0x165: {  	v5 =	vld [tilespmem:s0+$0xFFFFFF50];
	v0 =	vmul.f32 $1.131370830e+01, v0  }
0x166: {  	v8 =	vld [tilespmem:s0+$0xFFFFFF80];
	v1 =	vmul.f32 $1.131370830e+01, v1  }
0x167: {  	v7 =	vld [tilespmem:s0+$0xFFFFFF70];
	v2 =	vmul.f32 $1.131370830e+01, v2;
	[tilespmem:s0+$0xF0] =	vst v0  }
0x168: {  	v6 =	vmul.f32 $1.131370830e+01, v6;
	v0 =	vld [tilespmem:s0+$0xFFFFFF90];
	[tilespmem:s0+$0xFFFFFF10] =	vst v1  }
0x169: {  	v1 =	vmul.f32 $1.131370830e+01, v3;
	v3 =	vld [tilespmem:s0+$0xFFFFFFA0];
	[tilespmem:s0+$0xFFFFFF20] =	vst v2;
	v2 =	vmul.f32 $1.131370830e+01, v4  }
0x16a: {  	[tilespmem:s0+$0xFFFFFF60] =	vst v6;
	v6 =	vld [tilespmem:s0+$0xFFFFFFF0]  }
0x16b: {  	v4 =	vld [tilespmem:s0+$0xFFFFFFB0];
	[tilespmem:s0+$0xFFFFFF40] =	vst v2;
	v2 =	vmul.f32 $1.131370830e+01, v8  }
0x16c: {  	[tilespmem:s0+$0xFFFFFF30] =	vst v1;
	v1 =	vmul.f32 $1.131370830e+01, v5;
	v5 =	vld [tilespmem:s0+$0xFFFFFFC0]  }
0x16d: {  	v8 =	vld [tilespmem:s0+$0xFFFFFFD0];
	[tilespmem:s0+$0xFFFFFF80] =	vst v2;
	v2 =	vmul.f32 $1.131370830e+01, v7  }
0x16e: {  	[tilespmem:s0+$0xFFFFFF50] =	vst v1;
	v1 =	vld [tilespmem:s0+$0xFFFFFFE0];
	v0 =	vmul.f32 $1.131370830e+01, v0  }
0x16f: {  	v7 =	vld [tilespmem:s0+$0x30];
	v6 =	vmul.f32 $1.131370830e+01, v6;
	[tilespmem:s0+$0xFFFFFF70] =	vst v2  }
0x170: {  	v2 =	vmul.f32 $1.131370830e+01, v3;
	v3 =	vld [tilespmem:s0+$0x0];
	[tilespmem:s0+$0xFFFFFF90] =	vst v0  }
0x171: {  	v0 =	vmul.f32 $1.131370830e+01, v4;
	v4 =	vld [tilespmem:s0+$0x10];
	[tilespmem:s0+$0xFFFFFFF0] =	vst v6  }
0x172: {  	[tilespmem:s0+$0xFFFFFFA0] =	vst v2;
	v2 =	vmul.f32 $1.131370830e+01, v5;
	v5 =	vld [tilespmem:s0+$0x20]  }
0x173: {  	v6 =	vld [tilespmem:s0+$0x80];
	[tilespmem:s0+$0xFFFFFFB0] =	vst v0;
	v0 =	vmul.f32 $1.131370830e+01, v8  }
0x174: {  	v1 =	vmul.f32 $1.131370830e+01, v1;
	[tilespmem:s0+$0xFFFFFFC0] =	vst v2;
	v2 =	vld [tilespmem:s0+$0x40]  }
0x175: {  	[tilespmem:s0+$0xFFFFFFD0] =	vst v0;
	v0 =	vmul.f32 $1.131370830e+01, v3  }
0x176: {  	v3 =	vld [tilespmem:s0+$0x50];
	[tilespmem:s0+$0xFFFFFFE0] =	vst v1;
	v4 =	vmul.f32 $1.131370830e+01, v4  }
0x177: {  	v1 =	vld [tilespmem:s0+$0x60];
	[tilespmem:s0+$0x0] =	vst v0;
	v0 =	vmul.f32 $1.131370830e+01, v5  }
0x178: {  	v6 =	vmul.f32 $1.131370830e+01, v6;
	v5 =	vld [tilespmem:s0+$0x70];
	[tilespmem:s0+$0x10] =	vst v4  }
0x179: {  	v4 =	vmul.f32 $1.131370830e+01, v7;
	v7 =	vld [tilespmem:s0+$0x90];
	[tilespmem:s0+$0x20] =	vst v0;
	v0 =	vmul.f32 $1.131370830e+01, v2  }
0x17a: {  	v8 =	vld [tilespmem:s0+$0xA0];
	[tilespmem:s0+$0x80] =	vst v6  }
0x17b: {  	v2 =	vmul.f32 $1.131370830e+01, v3;
	[tilespmem:s0+$0x40] =	vst v0;
	v0 =	vld [tilespmem:s0+$0xB0]  }
0x17c: {  	[tilespmem:s0+$0x30] =	vst v4;
	v3 =	vmul.f32 $1.131370830e+01, v1;
	v1 =	vld [tilespmem:s0+$0xC0]  }
0x17d: {  	[tilespmem:s0+$0x50] =	vst v2;
	v4 =	vmul.f32 $1.131370830e+01, v5;
	v2 =	vld [tilespmem:s0+$0xD0]  }
0x17e: {  	[tilespmem:s0+$0x60] =	vst v3;
	v3 =	vld [tilespmem:s0+$0xE0];
	v5 =	vmul.f32 $1.131370830e+01, v7  }
0x17f: {  	s1 =	simm.s32 $0x0;
	s6 =	simm.s32 $0x1F00;
	v6 =	vmul.f32 $1.131370830e+01, v8;
	[tilespmem:s0+$0x70] =	vst v4;
	v4 =	vld [tilespmem:s0+$0xFFFFFF00]  }
.LBB2_12:
0x180: {  	v7 =	vld [tilespmem:s6+$0xF0];
	s1 =	sadd.s32 $0x4, s1;
	[tilespmem:s0+$0x90] =	vst v5;
	v0 =	vmul.f32 $1.131370830e+01, v0  }
0x181: {  	v5 =	vld [tilespmem:s6+$0xFFFFFF10];
	p0 =	slt.u32 s1, $0x7C;
	[tilespmem:s0+$0xA0] =	vst v6;
	v1 =	vmul.f32 $1.131370830e+01, v1  }
0x182: {  	v6 =	vld [tilespmem:s6+$0xFFFFFF20];
	[tilespmem:s0+$0xB0] =	vst v0;
	v0 =	vmul.f32 $1.131370830e+01, v2  }
0x183: {  	v2 =	vld [tilespmem:s6+$0xFFFFFF30];
	[tilespmem:s0+$0xC0] =	vst v1;
	v1 =	vmul.f32 $1.131370830e+01, v3  }
0x184: {  	v3 =	vld [tilespmem:s6+$0xFFFFFF40];
	v4 =	vmul.f32 $1.131370830e+01, v4;
	[tilespmem:s0+$0xD0] =	vst v0  }
0x185: {  	v0 =	vld [tilespmem:s6+$0xFFFFFF50];
	v7 =	vmul.f32 $1.131370830e+01, v7;
	[tilespmem:s0+$0xE0] =	vst v1  }
0x186: {  	v1 =	vmul.f32 $1.131370830e+01, v5;
	v5 =	vld [tilespmem:s6+$0xFFFFFF60];
	[tilespmem:s0+$0xFFFFFF00] =	vst v4;
	s0 =	smov.u32 s6  }
0x187: {  	v4 =	vmul.f32 $1.131370830e+01, v6;
	v6 =	vld [tilespmem:s6+$0xFFFFFF70];
	[tilespmem:s6+$0xF0] =	vst v7  }
0x188: {  	[tilespmem:s6+$0xFFFFFF10] =	vst v1;
	v1 =	vmul.f32 $1.131370830e+01, v2;
	v2 =	vld [tilespmem:s6+$0xFFFFFF80]  }
0x189: {  	[tilespmem:s6+$0xFFFFFF20] =	vst v4;
	v3 =	vmul.f32 $1.131370830e+01, v3;
	v4 =	vld [tilespmem:s6+$0xFFFFFF90]  }
0x18a: {  	[tilespmem:s6+$0xFFFFFF30] =	vst v1;
	v0 =	vmul.f32 $1.131370830e+01, v0;
	v1 =	vld [tilespmem:s6+$0xFFFFFFA0]  }
0x18b: {  	[tilespmem:s6+$0xFFFFFF40] =	vst v3;
	v3 =	vmul.f32 $1.131370830e+01, v5;
	v5 =	vld [tilespmem:s6+$0xFFFFFFB0]  }
0x18c: {  	[tilespmem:s6+$0xFFFFFF50] =	vst v0;
	v0 =	vmul.f32 $1.131370830e+01, v6;
	v6 =	vld [tilespmem:s6+$0xFFFFFFC0]  }
0x18d: {  	[tilespmem:s6+$0xFFFFFF60] =	vst v3;
	v2 =	vmul.f32 $1.131370830e+01, v2;
	v3 =	vld [tilespmem:s6+$0xFFFFFFD0]  }
0x18e: {  	[tilespmem:s6+$0xFFFFFF70] =	vst v0;
	v0 =	vmul.f32 $1.131370830e+01, v4;
	v4 =	vld [tilespmem:s6+$0xFFFFFFE0]  }
0x18f: {  	[tilespmem:s6+$0xFFFFFF80] =	vst v2;
	v1 =	vmul.f32 $1.131370830e+01, v1;
	v2 =	vld [tilespmem:s6+$0xFFFFFFF0]  }
0x190: {  	[tilespmem:s6+$0xFFFFFF90] =	vst v0;
	v0 =	vmul.f32 $1.131370830e+01, v5;
	v5 =	vld [tilespmem:s6+$0x0]  }
0x191: {  	[tilespmem:s6+$0xFFFFFFA0] =	vst v1;
	v1 =	vmul.f32 $1.131370830e+01, v6;
	v6 =	vld [tilespmem:s6+$0x10]  }
0x192: {  	[tilespmem:s6+$0xFFFFFFB0] =	vst v0;
	v0 =	vmul.f32 $1.131370830e+01, v3;
	v3 =	vld [tilespmem:s6+$0x20]  }
0x193: {  	[tilespmem:s6+$0xFFFFFFC0] =	vst v1;
	v1 =	vmul.f32 $1.131370830e+01, v4;
	v4 =	vld [tilespmem:s6+$0x30]  }
0x194: {  	[tilespmem:s6+$0xFFFFFFD0] =	vst v0;
	v0 =	vmul.f32 $1.131370830e+01, v2;
	v2 =	vld [tilespmem:s6+$0x40]  }
0x195: {  	[tilespmem:s6+$0xFFFFFFE0] =	vst v1;
	v1 =	vmul.f32 $1.131370830e+01, v5;
	v5 =	vld [tilespmem:s6+$0x50]  }
0x196: {  	[tilespmem:s6+$0xFFFFFFF0] =	vst v0;
	v0 =	vmul.f32 $1.131370830e+01, v6;
	v6 =	vld [tilespmem:s6+$0x60]  }
0x197: {  	[tilespmem:s6+$0x0] =	vst v1;
	v1 =	vmul.f32 $1.131370830e+01, v3;
	v3 =	vld [tilespmem:s6+$0x70]  }
0x198: {  	[tilespmem:s6+$0x10] =	vst v0;
	v0 =	vmul.f32 $1.131370830e+01, v4;
	v4 =	vld [tilespmem:s6+$0x80]  }
0x199: {  	[tilespmem:s6+$0x20] =	vst v1;
	v1 =	vmul.f32 $1.131370830e+01, v2;
	v7 =	vld [tilespmem:s6+$0x90]  }
0x19a: {  	[tilespmem:s6+$0x30] =	vst v0;
	v2 =	vmul.f32 $1.131370830e+01, v5;
	v8 =	vld [tilespmem:s6+$0xA0]  }
.Ltmp5:
0x19b: {  	[tilespmem:s6+$0x40] =	vst v1;
	v5 =	vmul.f32 $1.131370830e+01, v6;
	v0 =	vld [tilespmem:s6+$0xB0];
	(pc) =	sbr.rel @p0 .LBB2_12-.Ltmp5, $4  }
0x19c: {  	[tilespmem:s6+$0x50] =	vst v2;
	v3 =	vmul.f32 $1.131370830e+01, v3;
	v1 =	vld [tilespmem:s6+$0xC0]  }
0x19d: {  	[tilespmem:s6+$0x60] =	vst v5;
	v6 =	vmul.f32 $1.131370830e+01, v4;
	v2 =	vld [tilespmem:s6+$0xD0]  }
0x19e: {  	[tilespmem:s6+$0x70] =	vst v3;
	v5 =	vmul.f32 $1.131370830e+01, v7;
	v3 =	vld [tilespmem:s6+$0xE0]  }
0x19f: {  	s6 =	sadd.s32 $0x200, s6;
	v4 =	vld [tilespmem:s0+$0xFFFFFF00];
	[tilespmem:s0+$0x80] =	vst v6;
	v6 =	vmul.f32 $1.131370830e+01, v8  }
0x1a0: {  	[tilespmem:s0+$0x90] =	vst v5;
	v0 =	vmul.f32 $1.131370830e+01, v0  }
0x1a1: {  	[tilespmem:s0+$0xA0] =	vst v6;
	v1 =	vmul.f32 $1.131370830e+01, v1  }
0x1a2: {  	[tilespmem:s0+$0xB0] =	vst v0;
	v0 =	vmul.f32 $1.131370830e+01, v2  }
0x1a3: {  	[tilespmem:s0+$0xC0] =	vst v1;
	v1 =	vmul.f32 $1.131370830e+01, v3  }
0x1a4: {  	v2 =	vmul.f32 $1.131370830e+01, v4;
	[tilespmem:s0+$0xD0] =	vst v0  }
0x1a5: {  	[tilespmem:s0+$0xE0] =	vst v1  }
0x1a6: {  	[tilespmem:s0+$0xFFFFFF00] =	vst v2  }
0x1a7: {  	[hbm4b:s9+s4] =	stream.linear.scatter [tilespmem:s14], [sflag:$0x5], $0x4000, $0x38;
	[tilespmem:$0x11C00] =	vst v63  }
0x1a8: {  	_ =	swait.ge [sflag:s21], $0x4000  }
0x1a9: {  	[sflag:s21] =	ssyncset.done $0x0  }
0x1aa: {  	s0 =	simm.s32 $0x5D00;
	[sflag:s21] =	ssyncadd.s32 $0xFFFFC000  }
0x1ab: {  	v0 =	vld [tilespmem:s0+$0xF0]  }
0x1ac: {  	v1 =	vld [tilespmem:s0+$0xFFFFFF10]  }
0x1ad: {  	v2 =	vld [tilespmem:s0+$0xFFFFFF20]  }
0x1ae: {  	v3 =	vld [tilespmem:s0+$0xFFFFFF30]  }
0x1af: {  	v6 =	vld [tilespmem:s0+$0xFFFFFF60]  }
0x1b0: {  	v4 =	vld [tilespmem:s0+$0xFFFFFF40]  }
0x1b1: {  	v5 =	vld [tilespmem:s0+$0xFFFFFF50];
	v0 =	vmul.f32 $1.131370830e+01, v0  }
0x1b2: {  	v8 =	vld [tilespmem:s0+$0xFFFFFF80];
	v1 =	vmul.f32 $1.131370830e+01, v1  }
0x1b3: {  	v7 =	vld [tilespmem:s0+$0xFFFFFF70];
	v2 =	vmul.f32 $1.131370830e+01, v2;
	[tilespmem:s0+$0xF0] =	vst v0  }
0x1b4: {  	v6 =	vmul.f32 $1.131370830e+01, v6;
	v0 =	vld [tilespmem:s0+$0xFFFFFF90];
	[tilespmem:s0+$0xFFFFFF10] =	vst v1  }
0x1b5: {  	v1 =	vmul.f32 $1.131370830e+01, v3;
	v3 =	vld [tilespmem:s0+$0xFFFFFFA0];
	[tilespmem:s0+$0xFFFFFF20] =	vst v2;
	v2 =	vmul.f32 $1.131370830e+01, v4  }
0x1b6: {  	[tilespmem:s0+$0xFFFFFF60] =	vst v6;
	v6 =	vld [tilespmem:s0+$0xFFFFFFF0]  }
0x1b7: {  	v4 =	vld [tilespmem:s0+$0xFFFFFFB0];
	[tilespmem:s0+$0xFFFFFF40] =	vst v2;
	v2 =	vmul.f32 $1.131370830e+01, v8  }
0x1b8: {  	[tilespmem:s0+$0xFFFFFF30] =	vst v1;
	v1 =	vmul.f32 $1.131370830e+01, v5;
	v5 =	vld [tilespmem:s0+$0xFFFFFFC0]  }
0x1b9: {  	v8 =	vld [tilespmem:s0+$0xFFFFFFD0];
	[tilespmem:s0+$0xFFFFFF80] =	vst v2;
	v2 =	vmul.f32 $1.131370830e+01, v7  }
0x1ba: {  	[tilespmem:s0+$0xFFFFFF50] =	vst v1;
	v1 =	vld [tilespmem:s0+$0xFFFFFFE0];
	v0 =	vmul.f32 $1.131370830e+01, v0  }
0x1bb: {  	v7 =	vld [tilespmem:s0+$0x30];
	v6 =	vmul.f32 $1.131370830e+01, v6;
	[tilespmem:s0+$0xFFFFFF70] =	vst v2  }
0x1bc: {  	v2 =	vmul.f32 $1.131370830e+01, v3;
	v3 =	vld [tilespmem:s0+$0x0];
	[tilespmem:s0+$0xFFFFFF90] =	vst v0  }
0x1bd: {  	v0 =	vmul.f32 $1.131370830e+01, v4;
	v4 =	vld [tilespmem:s0+$0x10];
	[tilespmem:s0+$0xFFFFFFF0] =	vst v6  }
0x1be: {  	[tilespmem:s0+$0xFFFFFFA0] =	vst v2;
	v2 =	vmul.f32 $1.131370830e+01, v5;
	v5 =	vld [tilespmem:s0+$0x20]  }
0x1bf: {  	v6 =	vld [tilespmem:s0+$0x80];
	[tilespmem:s0+$0xFFFFFFB0] =	vst v0;
	v0 =	vmul.f32 $1.131370830e+01, v8  }
0x1c0: {  	v1 =	vmul.f32 $1.131370830e+01, v1;
	[tilespmem:s0+$0xFFFFFFC0] =	vst v2;
	v2 =	vld [tilespmem:s0+$0x40]  }
0x1c1: {  	[tilespmem:s0+$0xFFFFFFD0] =	vst v0;
	v0 =	vmul.f32 $1.131370830e+01, v3  }
0x1c2: {  	v3 =	vld [tilespmem:s0+$0x50];
	[tilespmem:s0+$0xFFFFFFE0] =	vst v1;
	v4 =	vmul.f32 $1.131370830e+01, v4  }
0x1c3: {  	v1 =	vld [tilespmem:s0+$0x60];
	[tilespmem:s0+$0x0] =	vst v0;
	v0 =	vmul.f32 $1.131370830e+01, v5  }
0x1c4: {  	v6 =	vmul.f32 $1.131370830e+01, v6;
	v5 =	vld [tilespmem:s0+$0x70];
	[tilespmem:s0+$0x10] =	vst v4  }
0x1c5: {  	v4 =	vmul.f32 $1.131370830e+01, v7;
	v7 =	vld [tilespmem:s0+$0x90];
	[tilespmem:s0+$0x20] =	vst v0;
	v0 =	vmul.f32 $1.131370830e+01, v2  }
0x1c6: {  	v8 =	vld [tilespmem:s0+$0xA0];
	[tilespmem:s0+$0x80] =	vst v6  }
0x1c7: {  	v2 =	vmul.f32 $1.131370830e+01, v3;
	[tilespmem:s0+$0x40] =	vst v0;
	v0 =	vld [tilespmem:s0+$0xB0]  }
0x1c8: {  	[tilespmem:s0+$0x30] =	vst v4;
	v3 =	vmul.f32 $1.131370830e+01, v1;
	v1 =	vld [tilespmem:s0+$0xC0]  }
0x1c9: {  	[tilespmem:s0+$0x50] =	vst v2;
	v4 =	vmul.f32 $1.131370830e+01, v5;
	v2 =	vld [tilespmem:s0+$0xD0]  }
0x1ca: {  	[tilespmem:s0+$0x60] =	vst v3;
	v3 =	vld [tilespmem:s0+$0xE0];
	v5 =	vmul.f32 $1.131370830e+01, v7  }
0x1cb: {  	s1 =	simm.s32 $0x0;
	s6 =	simm.s32 $0x5F00;
	v6 =	vmul.f32 $1.131370830e+01, v8;
	[tilespmem:s0+$0x70] =	vst v4;
	v4 =	vld [tilespmem:s0+$0xFFFFFF00]  }
.LBB2_14:
0x1cc: {  	v7 =	vld [tilespmem:s6+$0xF0];
	s1 =	sadd.s32 $0x4, s1;
	[tilespmem:s0+$0x90] =	vst v5;
	v0 =	vmul.f32 $1.131370830e+01, v0  }
0x1cd: {  	v5 =	vld [tilespmem:s6+$0xFFFFFF10];
	p0 =	slt.u32 s1, $0x7C;
	[tilespmem:s0+$0xA0] =	vst v6;
	v1 =	vmul.f32 $1.131370830e+01, v1  }
0x1ce: {  	v6 =	vld [tilespmem:s6+$0xFFFFFF20];
	[tilespmem:s0+$0xB0] =	vst v0;
	v0 =	vmul.f32 $1.131370830e+01, v2  }
0x1cf: {  	v2 =	vld [tilespmem:s6+$0xFFFFFF30];
	[tilespmem:s0+$0xC0] =	vst v1;
	v1 =	vmul.f32 $1.131370830e+01, v3  }
0x1d0: {  	v3 =	vld [tilespmem:s6+$0xFFFFFF40];
	v4 =	vmul.f32 $1.131370830e+01, v4;
	[tilespmem:s0+$0xD0] =	vst v0  }
0x1d1: {  	v0 =	vld [tilespmem:s6+$0xFFFFFF50];
	v7 =	vmul.f32 $1.131370830e+01, v7;
	[tilespmem:s0+$0xE0] =	vst v1  }
0x1d2: {  	v1 =	vmul.f32 $1.131370830e+01, v5;
	v5 =	vld [tilespmem:s6+$0xFFFFFF60];
	[tilespmem:s0+$0xFFFFFF00] =	vst v4;
	s0 =	smov.u32 s6  }
0x1d3: {  	v4 =	vmul.f32 $1.131370830e+01, v6;
	v6 =	vld [tilespmem:s6+$0xFFFFFF70];
	[tilespmem:s6+$0xF0] =	vst v7  }
0x1d4: {  	[tilespmem:s6+$0xFFFFFF10] =	vst v1;
	v1 =	vmul.f32 $1.131370830e+01, v2;
	v2 =	vld [tilespmem:s6+$0xFFFFFF80]  }
0x1d5: {  	[tilespmem:s6+$0xFFFFFF20] =	vst v4;
	v3 =	vmul.f32 $1.131370830e+01, v3;
	v4 =	vld [tilespmem:s6+$0xFFFFFF90]  }
0x1d6: {  	[tilespmem:s6+$0xFFFFFF30] =	vst v1;
	v0 =	vmul.f32 $1.131370830e+01, v0;
	v1 =	vld [tilespmem:s6+$0xFFFFFFA0]  }
0x1d7: {  	[tilespmem:s6+$0xFFFFFF40] =	vst v3;
	v3 =	vmul.f32 $1.131370830e+01, v5;
	v5 =	vld [tilespmem:s6+$0xFFFFFFB0]  }
0x1d8: {  	[tilespmem:s6+$0xFFFFFF50] =	vst v0;
	v0 =	vmul.f32 $1.131370830e+01, v6;
	v6 =	vld [tilespmem:s6+$0xFFFFFFC0]  }
0x1d9: {  	[tilespmem:s6+$0xFFFFFF60] =	vst v3;
	v2 =	vmul.f32 $1.131370830e+01, v2;
	v3 =	vld [tilespmem:s6+$0xFFFFFFD0]  }
0x1da: {  	[tilespmem:s6+$0xFFFFFF70] =	vst v0;
	v0 =	vmul.f32 $1.131370830e+01, v4;
	v4 =	vld [tilespmem:s6+$0xFFFFFFE0]  }
0x1db: {  	[tilespmem:s6+$0xFFFFFF80] =	vst v2;
	v1 =	vmul.f32 $1.131370830e+01, v1;
	v2 =	vld [tilespmem:s6+$0xFFFFFFF0]  }
0x1dc: {  	[tilespmem:s6+$0xFFFFFF90] =	vst v0;
	v0 =	vmul.f32 $1.131370830e+01, v5;
	v5 =	vld [tilespmem:s6+$0x0]  }
0x1dd: {  	[tilespmem:s6+$0xFFFFFFA0] =	vst v1;
	v1 =	vmul.f32 $1.131370830e+01, v6;
	v6 =	vld [tilespmem:s6+$0x10]  }
0x1de: {  	[tilespmem:s6+$0xFFFFFFB0] =	vst v0;
	v0 =	vmul.f32 $1.131370830e+01, v3;
	v3 =	vld [tilespmem:s6+$0x20]  }
0x1df: {  	[tilespmem:s6+$0xFFFFFFC0] =	vst v1;
	v1 =	vmul.f32 $1.131370830e+01, v4;
	v4 =	vld [tilespmem:s6+$0x30]  }
0x1e0: {  	[tilespmem:s6+$0xFFFFFFD0] =	vst v0;
	v0 =	vmul.f32 $1.131370830e+01, v2;
	v2 =	vld [tilespmem:s6+$0x40]  }
0x1e1: {  	[tilespmem:s6+$0xFFFFFFE0] =	vst v1;
	v1 =	vmul.f32 $1.131370830e+01, v5;
	v5 =	vld [tilespmem:s6+$0x50]  }
0x1e2: {  	[tilespmem:s6+$0xFFFFFFF0] =	vst v0;
	v0 =	vmul.f32 $1.131370830e+01, v6;
	v6 =	vld [tilespmem:s6+$0x60]  }
0x1e3: {  	[tilespmem:s6+$0x0] =	vst v1;
	v1 =	vmul.f32 $1.131370830e+01, v3;
	v3 =	vld [tilespmem:s6+$0x70]  }
0x1e4: {  	[tilespmem:s6+$0x10] =	vst v0;
	v0 =	vmul.f32 $1.131370830e+01, v4;
	v4 =	vld [tilespmem:s6+$0x80]  }
0x1e5: {  	[tilespmem:s6+$0x20] =	vst v1;
	v1 =	vmul.f32 $1.131370830e+01, v2;
	v7 =	vld [tilespmem:s6+$0x90]  }
0x1e6: {  	[tilespmem:s6+$0x30] =	vst v0;
	v2 =	vmul.f32 $1.131370830e+01, v5;
	v8 =	vld [tilespmem:s6+$0xA0]  }
.Ltmp6:
0x1e7: {  	[tilespmem:s6+$0x40] =	vst v1;
	v5 =	vmul.f32 $1.131370830e+01, v6;
	v0 =	vld [tilespmem:s6+$0xB0];
	(pc) =	sbr.rel @p0 .LBB2_14-.Ltmp6, $4  }
0x1e8: {  	[tilespmem:s6+$0x50] =	vst v2;
	v3 =	vmul.f32 $1.131370830e+01, v3;
	v1 =	vld [tilespmem:s6+$0xC0]  }
0x1e9: {  	[tilespmem:s6+$0x60] =	vst v5;
	v6 =	vmul.f32 $1.131370830e+01, v4;
	v2 =	vld [tilespmem:s6+$0xD0]  }
0x1ea: {  	[tilespmem:s6+$0x70] =	vst v3;
	v5 =	vmul.f32 $1.131370830e+01, v7;
	v3 =	vld [tilespmem:s6+$0xE0]  }
0x1eb: {  	s6 =	sadd.s32 $0x200, s6;
	v4 =	vld [tilespmem:s0+$0xFFFFFF00];
	[tilespmem:s0+$0x80] =	vst v6;
	v6 =	vmul.f32 $1.131370830e+01, v8  }
0x1ec: {  	[tilespmem:s0+$0x90] =	vst v5;
	v0 =	vmul.f32 $1.131370830e+01, v0  }
0x1ed: {  	[tilespmem:s0+$0xA0] =	vst v6;
	v1 =	vmul.f32 $1.131370830e+01, v1  }
0x1ee: {  	[tilespmem:s0+$0xB0] =	vst v0;
	v61 =	vmul.f32 $1.131370830e+01, v2  }
0x1ef: {  	[tilespmem:s0+$0xC0] =	vst v1;
	v62 =	vmul.f32 $1.131370830e+01, v3  }
0x1f0: {  	v63 =	vmul.f32 $1.131370830e+01, v4;
	[tilespmem:s0+$0xD0] =	vst v61  }
0x1f1: {  	[tilespmem:s0+$0xE0] =	vst v62  }
0x1f2: {  	[tilespmem:s0+$0xFFFFFF00] =	vst v63  }
0x1f3: {  	[hbm4b:s10+s4] =	stream.linear.scatter [tilespmem:s15], [sflag:$0x6], $0x4000, $0x38;
	[tilespmem:$0x11C00] =	vst v63  }
0x1f4: {  	_ =	swait.ge [sflag:s25], $0x4000  }
0x1f5: {  	[sflag:s25] =	ssyncset.done $0x0  }
0x1f6: {  	[sflag:s25] =	ssyncadd.s32 $0xFFFFC000  }
0x1f7: {  	_ =	swait.ge [sflag:s26], $0x4000  }
0x1f8: {  	[sflag:s26] =	ssyncset.done $0x0  }
0x1f9: {  	s28 =	sadd.s32 $0x1, s28;
	[sflag:s26] =	ssyncadd.s32 $0xFFFFC000  }
0x1fa: {  	p0 =	sne.s32 s28, s11;
	_ =	swait.ge [sflag:s20], $0x4000  }
.Ltmp7:
0x1fb: {  	[sflag:s20] =	ssyncset.done $0x0;
	(pc) =	sbr.rel @p0 .LBB2_1-.Ltmp7, $4  }
0x1fc: {  	[sflag:s20] =	ssyncadd.s32 $0xFFFFC000  }
0x1fd: {  	_ =	swait.ge [sflag:s22], $0x4000  }
0x1fe: {  	[sflag:s22] =	ssyncset.done $0x0  }
0x1ff: {  	[sflag:s22] =	ssyncadd.s32 $0xFFFFC000  }
0x200: {  	_ =	sfence.sel $0x180000  }
0x201: {  	[bflag:$0x0] =	sbarrier.arrive $0xFFFF  }
0x202: {  	_ =	strace $0x90000047  }
0x203: {  	s0 =	stileid.u32;
	[bflag:$0x2] =	sbarrier.arrive $0xFFFF  }
0x204: {  	p0 =	sne.s32 s0, $0x0;
	s0 =	rddreg [dreg:$0x3]  }
0x205: {  	s0 =	sadd.s32 @!p0 $0x100000, s0  }
0x206: {  	[sflag:s0] =	ssyncadd.tile.s32 @!p0 $0x1;
	_ =	shalt  }
.Lfunc_end2:
_tile_overlayer_lowered:
.L_overlay_start_2:
0x207: {  	(tag) =	ssettag $0x2  }
0x208: {  	s0 =	rddreg [dreg:$0x0];
	s2 =	stileid.u32  }
0x209: {  	s1 =	rddreg [dreg:$0x1];
	p0 =	sne.s32 s2, $0x0  }
0x20a: {  	s3 =	rddreg [dreg:$0x2];
	[bflag:$0x3] =	sbarrier.arrive $0xFFFF;
	s2 =	simm.s32 @!p0 $0x1C09  }
0x20b: {  	[timem:s3], [sflag:s2] =	dma.local @!p0 [hbm:s0], s1  }
0x20c: {  	s0 =	simm.s32 @!p0 $0x9  }
0x20d: {  	_ =	swait.ge @!p0 [sflag:s0], s1  }
0x20e: {  	s1 =	ssub.s32 @!p0 $0x0, s1;
	[sflag:s0] =	ssyncset.done @!p0 $0x0  }
0x20f: {  	[sflag:s0] =	ssyncadd.s32 @!p0 s1  }
0x210: {  	[bflag:$0x3] =	sbarrier.arrive $0xFFFF  }
0x211: {  	_ =	shalt  }

</sc_bundles>
